<compile_context>
chip_gen: v7x
topology: tpu7x:2x2x1
jax: 0.10.2.dev20260603
libtpu: 0.0.44.dev20260713+nightly
codegen_flags: <defaults>
</compile_context>

<pallas_src>
import functools

import jax
import jax.numpy as jnp
from jax import lax
from jax.experimental import pallas as pl
from jax.experimental.pallas import tpu as pltpu
from jax.experimental.pallas import tpu_sc as plsc

B = 16
U = 4096
CH = 1024
NCH = U // CH
MAGIC = 1.5 * 2 ** 23


@functools.partial(
    pl.kernel,
    out_type=jax.ShapeDtypeStruct((U, B), jnp.float32),
    mesh=plsc.VectorSubcoreMesh(core_axis_name="c", subcore_axis_name="s", num_cores=1, num_subcores=1),
    scratch_types=[
        [pltpu.VMEM((CH, B), jnp.float32)] * 2,
        [pltpu.VMEM((CH, B), jnp.float32)] * 2,
        [pltpu.VMEM((CH, B), jnp.float32)] * 2,
        pltpu.VMEM((B,), jnp.float32),
        pltpu.VMEM((B,), jnp.float32),
        pltpu.VMEM((B,), jnp.int32),
        [pltpu.SemaphoreType.DMA] * 7,
    ],
    compiler_params=pltpu.CompilerParams(use_tc_tiling_on_sc=False,
                                         needs_layout_passes=False,
                                         disable_bounds_checks=True,
                                         disable_semaphore_checks=True),
)
def _scan_kernel(e_hbm, s_hbm, res_hbm, off_hbm, len_hbm, out_hbm,
                 e_bufs, s_bufs, o_bufs, r_v, f_v, l_v, sems):
    @pl.when((lax.axis_index("c") == 0) & (lax.axis_index("s") == 0))
    def _():
        sem_e = sems[0:2]
        sem_s = sems[2:4]
        sem_o = sems[4:6]
        sem_p = sems[6]

        def start_in(c):
            b = c % 2
            de = pltpu.async_copy(e_hbm.at[pl.ds(c * CH, CH), :], e_bufs[b],
                                  sem_e[b])
            ds_ = pltpu.async_copy(s_hbm.at[pl.ds(c * CH, CH), :], s_bufs[b],
                                   sem_s[b])
            return (de, ds_)

        in_descs = {0: start_in(0)}
        if NCH > 1:
            in_descs[1] = start_in(1)
        out_descs = {}

        dr = pltpu.async_copy(res_hbm, r_v, sem_p)
        df = pltpu.async_copy(off_hbm, f_v, sem_p)
        dl = pltpu.async_copy(len_hbm, l_v, sem_p)
        dr.wait()
        df.wait()
        dl.wait()
        res = r_v[...]
        dcp = f_v[...]
        lens = l_v[...]
        magic = jnp.full((B,), MAGIC, jnp.float32)
        magic_lo = jnp.full((B,), MAGIC - 24.0, jnp.float32)
        magic_hi = jnp.full((B,), MAGIC + 24.0, jnp.float32)
        zero = jnp.zeros((B,), jnp.float32)

        for c in range(NCH):
            b = c % 2
            for d in in_descs.pop(c):
                d.wait()
            if c >= 2:
                out_descs.pop(c - 2).wait()
            e_v, s_v, o_v = e_bufs[b], s_bufs[b], o_bufs[b]

            e_cur = e_v[0]
            s_cur = s_v[0]

            def body(t, carry, c=c, e_v=e_v, s_v=s_v, o_v=o_v):
                res, dcp, e, src = carry
                tn = jnp.minimum(t + 1, CH - 1)
                e_nxt = e_v[tn]
                s_nxt = s_v[tn]
                Mu = (src + magic) - dcp
                A = (src + magic_lo) - dcp
                Bnd = (src + magic_hi) - dcp
                value = e + res
                V = value + magic
                W = jnp.maximum(V, A)
                W2 = jnp.minimum(W, Bnd)
                adj = W2 - magic
                res = value - adj
                dev_c = W2 - Mu
                m = jnp.full((B,), c * CH + t, jnp.int32) < lens
                o_v[t] = jnp.where(m, adj, zero)
                return res, dev_c, e_nxt, s_nxt

            res, dcp, _, _ = lax.fori_loop(0, CH, body,
                                           (res, dcp, e_cur, s_cur), unroll=4)
            out_descs[c] = pltpu.async_copy(o_v, out_hbm.at[pl.ds(c * CH, CH), :],
                                            sem_o[b])
            if c + 2 < NCH:
                in_descs[c + 2] = start_in(c + 2)

        for c in sorted(out_descs):
            out_descs.pop(c).wait()


def kernel(unit_duration_exec, source_duration_obs, residual_prev,
           prefix_unit_offset_prev, lengths):
    e = unit_duration_exec.astype(jnp.float32).T
    src = source_duration_obs.astype(jnp.float32).T
    res0 = residual_prev.reshape(B).astype(jnp.float32)
    off0 = prefix_unit_offset_prev.reshape(B).astype(jnp.float32)
    lens = lengths.astype(jnp.int32)
    return _scan_kernel(e, src, res0, off0, lens).T

# --- scband reference (transcript-rebuilt; emitter-appended) ---
"""Pipeline reference for scband-streaming-duration-projector-51110110822753 (READ-ONLY COPY).

The authoritative reference and input builder live on the scoring server;
editing this copy changes nothing except your own understanding.
"""

import jax, jax.numpy as jnp
import numpy as np

BUDGET_POS = 24.0
BUDGET_NEG = 24.0


def setup_inputs(seed: int = 0) -> dict:
    key = jax.random.key(seed)
    k1, k2, k3 = jax.random.split(key, 3)
    B, U = 16, 4096
    unit_duration_exec = jax.random.uniform(k1, (B, U), dtype=jnp.float32) * 8.0
    source_duration_obs = jax.random.uniform(k2, (B, U), dtype=jnp.float32) * 8.0
    lengths = jax.random.randint(k3, (B,), 0, U).astype(jnp.int64)
    residual_prev = jnp.zeros((B, 1), dtype=jnp.float32)
    prefix_unit_offset_prev = jnp.zeros((B, 1), dtype=jnp.float32)
    return {
        "unit_duration_exec": unit_duration_exec,
        "source_duration_obs": source_duration_obs,
        "residual_prev": residual_prev,
        "prefix_unit_offset_prev": prefix_unit_offset_prev,
        "lengths": lengths,
    }


def reference(unit_duration_exec, source_duration_obs, residual_prev, prefix_unit_offset_prev, lengths):
    # Streaming duration projection over a contiguous committed prefix per row.
    # Carries a rounding residual across units and clamps the cumulative
    # deviation (projected - rounded source) to the static prefix budgets.
    B, U = unit_duration_exec.shape
    steps = jnp.arange(U)
    commit_mask = (steps[None, :] < lengths[:, None])  # contiguous visible prefix
    res0 = residual_prev.reshape(B).astype(jnp.float32)
    off0 = prefix_unit_offset_prev.reshape(B).astype(jnp.float32)
    src_rounded = jnp.round(source_duration_obs.astype(jnp.float32))

    def step(carry, xs):
        res, off = carry
        e, s, m = xs
        value = e + res
        rounded = jnp.round(value)
        dev = off + rounded - s
        dev_c = jnp.clip(dev, -BUDGET_NEG, BUDGET_POS)
        rounded_adj = dev_c - off + s
        new_off = jnp.where(m, dev_c, off)
        new_res = jnp.where(m, value - rounded_adj, res)
        out = jnp.where(m, rounded_adj, jnp.zeros_like(rounded_adj))
        return (new_res, new_off), out

    (res_n, off_n), outs = jax.lax.scan(
        step,
        (res0, off0),
        (unit_duration_exec.astype(jnp.float32).T, src_rounded.T, commit_mask.T),
    )
    projected = outs.T  # [B, U]
    return projected

if __name__ == "__main__":
    import jax
    _d = setup_inputs()
    print(jax.jit(kernel)(*tuple(_d.values())))

</pallas_src>

<mosaic_0001>
#map = affine_map<(d0, d1) -> (0, 0)>
#map1 = affine_map<(d0, d1) -> (0)>
module attributes {stable_mosaic.version = 14 : i64} {
  func.func @_scan_kernel(%arg0: i32, %arg1: i32, %arg2: memref<4096x16xf32, #tpu.memory_space<hbm>>, %arg3: memref<4096x16xf32, #tpu.memory_space<hbm>>, %arg4: memref<16xf32, #tpu.memory_space<hbm>>, %arg5: memref<16xf32, #tpu.memory_space<hbm>>, %arg6: memref<16xi32, #tpu.memory_space<hbm>>, %arg7: memref<4096x16xf32, #tpu.memory_space<hbm>>, %arg8: memref<1024x16xf32, #tpu.memory_space<vmem>>, %arg9: memref<1024x16xf32, #tpu.memory_space<vmem>>, %arg10: memref<1024x16xf32, #tpu.memory_space<vmem>>, %arg11: memref<1024x16xf32, #tpu.memory_space<vmem>>, %arg12: memref<1024x16xf32, #tpu.memory_space<vmem>>, %arg13: memref<1024x16xf32, #tpu.memory_space<vmem>>, %arg14: memref<16xf32, #tpu.memory_space<vmem>>, %arg15: memref<16xf32, #tpu.memory_space<vmem>>, %arg16: memref<16xi32, #tpu.memory_space<vmem>>, %arg17: memref<!tpu.dma_semaphore, #tpu.memory_space<semaphore_mem>>, %arg18: memref<!tpu.dma_semaphore, #tpu.memory_space<semaphore_mem>>, %arg19: memref<!tpu.dma_semaphore, #tpu.memory_space<semaphore_mem>>, %arg20: memref<!tpu.dma_semaphore, #tpu.memory_space<semaphore_mem>>, %arg21: memref<!tpu.dma_semaphore, #tpu.memory_space<semaphore_mem>>, %arg22: memref<!tpu.dma_semaphore, #tpu.memory_space<semaphore_mem>>, %arg23: memref<!tpu.dma_semaphore, #tpu.memory_space<semaphore_mem>>) attributes {dimension_semantics = [#tpu.dimension_semantics<core_parallel>, #tpu.dimension_semantics<subcore_parallel>], iteration_bounds = array<i64: 1, 1>, scalar_prefetch = 0 : i64, scratch_operands = 16 : i64, tpu.core_type = #tpu.core_type<sc_vector_subcore>, window_params = [{transform_indices = #map}, {transform_indices = #map}, {transform_indices = #map1}, {transform_indices = #map1}, {transform_indices = #map1}, {transform_indices = #map}]} {
    %eq3A = arith.constant 0 : i32
    %eq3A_0 = arith.cmpi eq, %arg0, %eq3A : i32
    %eq3A_1 = arith.constant 0 : i32
    %eq3A_2 = arith.cmpi eq, %arg1, %eq3A_1 : i32
    %and3A = arith.andi %eq3A_0, %eq3A_2 : i1
    %convert_element_type3A = arith.extui %and3A : i1 to i32
    %cond3A = arith.constant 0 : i32
    %cond3A_3 = arith.cmpi ne, %convert_element_type3A, %cond3A : i32
    scf.if %cond3A_3 {
      %dma_start3A = arith.constant 0 : i32
      %dma_start3A_4 = arith.constant 0 : i32
      %dma_start3A_5 = tpu.memref_slice %arg2[%dma_start3A, %dma_start3A_4] : memref<4096x16xf32, #tpu.memory_space<hbm>> -> memref<1024x16xf32, #tpu.memory_space<hbm>>
      %dma_start3A_6 = arith.constant 0 : i32
      %dma_start3A_7 = arith.constant 0 : i32
      %dma_start3A_8 = tpu.memref_slice %arg2[%dma_start3A_6, %dma_start3A_7] : memref<4096x16xf32, #tpu.memory_space<hbm>> -> memref<1024x16xf32, #tpu.memory_space<hbm>>
      tpu.enqueue_dma source(%dma_start3A_8 : memref<1024x16xf32, #tpu.memory_space<hbm>>) target(%arg8 : memref<1024x16xf32, #tpu.memory_space<vmem>>) target_semaphore(%arg17 : memref<!tpu.dma_semaphore, #tpu.memory_space<semaphore_mem>>)
      %dma_start3A_9 = arith.constant 0 : i32
      %dma_start3A_10 = arith.constant 0 : i32
      %dma_start3A_11 = tpu.memref_slice %arg3[%dma_start3A_9, %dma_start3A_10] : memref<4096x16xf32, #tpu.memory_space<hbm>> -> memref<1024x16xf32, #tpu.memory_space<hbm>>
      %dma_start3A_12 = arith.constant 0 : i32
      %dma_start3A_13 = arith.constant 0 : i32
      %dma_start3A_14 = tpu.memref_slice %arg3[%dma_start3A_12, %dma_start3A_13] : memref<4096x16xf32, #tpu.memory_space<hbm>> -> memref<1024x16xf32, #tpu.memory_space<hbm>>
      tpu.enqueue_dma source(%dma_start3A_14 : memref<1024x16xf32, #tpu.memory_space<hbm>>) target(%arg10 : memref<1024x16xf32, #tpu.memory_space<vmem>>) target_semaphore(%arg19 : memref<!tpu.dma_semaphore, #tpu.memory_space<semaphore_mem>>)
      %dma_start3A_15 = arith.constant 1024 : i32
      %dma_start3A_16 = arith.constant 0 : i32
      %dma_start3A_17 = tpu.memref_slice %arg2[%dma_start3A_15, %dma_start3A_16] : memref<4096x16xf32, #tpu.memory_space<hbm>> -> memref<1024x16xf32, #tpu.memory_space<hbm>>
      %dma_start3A_18 = arith.constant 1024 : i32
      %dma_start3A_19 = arith.constant 0 : i32
      %dma_start3A_20 = tpu.memref_slice %arg2[%dma_start3A_18, %dma_start3A_19] : memref<4096x16xf32, #tpu.memory_space<hbm>> -> memref<1024x16xf32, #tpu.memory_space<hbm>>
      tpu.enqueue_dma source(%dma_start3A_20 : memref<1024x16xf32, #tpu.memory_space<hbm>>) target(%arg9 : memref<1024x16xf32, #tpu.memory_space<vmem>>) target_semaphore(%arg18 : memref<!tpu.dma_semaphore, #tpu.memory_space<semaphore_mem>>)
      %dma_start3A_21 = arith.constant 1024 : i32
      %dma_start3A_22 = arith.constant 0 : i32
      %dma_start3A_23 = tpu.memref_slice %arg3[%dma_start3A_21, %dma_start3A_22] : memref<4096x16xf32, #tpu.memory_space<hbm>> -> memref<1024x16xf32, #tpu.memory_space<hbm>>
      %dma_start3A_24 = arith.constant 1024 : i32
      %dma_start3A_25 = arith.constant 0 : i32
      %dma_start3A_26 = tpu.memref_slice %arg3[%dma_start3A_24, %dma_start3A_25] : memref<4096x16xf32, #tpu.memory_space<hbm>> -> memref<1024x16xf32, #tpu.memory_space<hbm>>
      tpu.enqueue_dma source(%dma_start3A_26 : memref<1024x16xf32, #tpu.memory_space<hbm>>) target(%arg11 : memref<1024x16xf32, #tpu.memory_space<vmem>>) target_semaphore(%arg20 : memref<!tpu.dma_semaphore, #tpu.memory_space<semaphore_mem>>)
      tpu.enqueue_dma source(%arg4 : memref<16xf32, #tpu.memory_space<hbm>>) target(%arg14 : memref<16xf32, #tpu.memory_space<vmem>>) target_semaphore(%arg23 : memref<!tpu.dma_semaphore, #tpu.memory_space<semaphore_mem>>)
      tpu.enqueue_dma source(%arg5 : memref<16xf32, #tpu.memory_space<hbm>>) target(%arg15 : memref<16xf32, #tpu.memory_space<vmem>>) target_semaphore(%arg23 : memref<!tpu.dma_semaphore, #tpu.memory_space<semaphore_mem>>)
      tpu.enqueue_dma source(%arg6 : memref<16xi32, #tpu.memory_space<hbm>>) target(%arg16 : memref<16xi32, #tpu.memory_space<vmem>>) target_semaphore(%arg23 : memref<!tpu.dma_semaphore, #tpu.memory_space<semaphore_mem>>)
      tpu.wait_dma2 semaphore(%arg23 : memref<!tpu.dma_semaphore, #tpu.memory_space<semaphore_mem>>) src(%arg4 : memref<16xf32, #tpu.memory_space<hbm>>) dst(%arg14 : memref<16xf32, #tpu.memory_space<vmem>>)
      tpu.wait_dma2 semaphore(%arg23 : memref<!tpu.dma_semaphore, #tpu.memory_space<semaphore_mem>>) src(%arg5 : memref<16xf32, #tpu.memory_space<hbm>>) dst(%arg15 : memref<16xf32, #tpu.memory_space<vmem>>)
      tpu.wait_dma2 semaphore(%arg23 : memref<!tpu.dma_semaphore, #tpu.memory_space<semaphore_mem>>) src(%arg6 : memref<16xi32, #tpu.memory_space<hbm>>) dst(%arg16 : memref<16xi32, #tpu.memory_space<vmem>>)
      %get3A = arith.constant 0 : index
      %get3A_27 = tpu.vector_load %arg14[%get3A] {strides = array<i32>} : memref<16xf32, #tpu.memory_space<vmem>>, vector<16xf32>,
      %get3A_28 = arith.constant 0 : index
      %get3A_29 = tpu.vector_load %arg15[%get3A_28] {strides = array<i32>} : memref<16xf32, #tpu.memory_space<vmem>>, vector<16xf32>,
      %get3A_30 = arith.constant 0 : index
      %get3A_31 = tpu.vector_load %arg16[%get3A_30] {strides = array<i32>} : memref<16xi32, #tpu.memory_space<vmem>>, vector<16xi32>,
      %broadcast_in_dim3A = arith.constant 0x4B400000 : f32
      %broadcast_in_dim3A_32 = vector.broadcast %broadcast_in_dim3A : f32 to vector<16xf32>
      %broadcast_in_dim3A_33 = arith.constant 0x4B3FFFE8 : f32
      %broadcast_in_dim3A_34 = vector.broadcast %broadcast_in_dim3A_33 : f32 to vector<16xf32>
      %broadcast_in_dim3A_35 = arith.constant 0x4B400018 : f32
      %broadcast_in_dim3A_36 = vector.broadcast %broadcast_in_dim3A_35 : f32 to vector<16xf32>
      %broadcast_in_dim3A_37 = arith.constant 0.000000e+00 : f32
      %broadcast_in_dim3A_38 = vector.broadcast %broadcast_in_dim3A_37 : f32 to vector<16xf32>
      %dma_wait3A = arith.constant 0 : i32
      %dma_wait3A_39 = arith.constant 0 : i32
      %dma_wait3A_40 = tpu.memref_slice %arg2[%dma_wait3A, %dma_wait3A_39] : memref<4096x16xf32, #tpu.memory_space<hbm>> -> memref<1024x16xf32, #tpu.memory_space<hbm>>
      %dma_wait3A_41 = arith.constant 0 : i32
      %dma_wait3A_42 = arith.constant 0 : i32
      %dma_wait3A_43 = tpu.memref_slice %arg2[%dma_wait3A_41, %dma_wait3A_42] : memref<4096x16xf32, #tpu.memory_space<hbm>> -> memref<1024x16xf32, #tpu.memory_space<hbm>>
      tpu.wait_dma2 semaphore(%arg17 : memref<!tpu.dma_semaphore, #tpu.memory_space<semaphore_mem>>) src(%dma_wait3A_43 : memref<1024x16xf32, #tpu.memory_space<hbm>>) dst(%arg8 : memref<1024x16xf32, #tpu.memory_space<vmem>>)
      %dma_wait3A_44 = arith.constant 0 : i32
      %dma_wait3A_45 = arith.constant 0 : i32
      %dma_wait3A_46 = tpu.memref_slice %arg3[%dma_wait3A_44, %dma_wait3A_45] : memref<4096x16xf32, #tpu.memory_space<hbm>> -> memref<1024x16xf32, #tpu.memory_space<hbm>>
      %dma_wait3A_47 = arith.constant 0 : i32
      %dma_wait3A_48 = arith.constant 0 : i32
      %dma_wait3A_49 = tpu.memref_slice %arg3[%dma_wait3A_47, %dma_wait3A_48] : memref<4096x16xf32, #tpu.memory_space<hbm>> -> memref<1024x16xf32, #tpu.memory_space<hbm>>
      tpu.wait_dma2 semaphore(%arg19 : memref<!tpu.dma_semaphore, #tpu.memory_space<semaphore_mem>>) src(%dma_wait3A_49 : memref<1024x16xf32, #tpu.memory_space<hbm>>) dst(%arg10 : memref<1024x16xf32, #tpu.memory_space<vmem>>)
      %get3A_50 = arith.constant 0 : i32
      %get3A_51 = arith.index_cast %get3A_50 : i32 to index
      %get3A_52 = arith.constant 0 : index
      %get3A_53 = tpu.vector_load %arg8[%get3A_51, %get3A_52] {strides = array<i32>} : memref<1024x16xf32, #tpu.memory_space<vmem>>, vector<16xf32>,
      %get3A_54 = arith.constant 0 : i32
      %get3A_55 = arith.index_cast %get3A_54 : i32 to index
      %get3A_56 = arith.constant 0 : index
      %get3A_57 = tpu.vector_load %arg10[%get3A_55, %get3A_56] {strides = array<i32>} : memref<1024x16xf32, #tpu.memory_space<vmem>>, vector<16xf32>,
      %scan3A = arith.constant 0 : i32
      %scan3A_58 = arith.constant 1024 : i32
      %scan3A_59 = arith.addi %scan3A, %scan3A_58 : i32
      %scan3A_60 = arith.constant 4 : i32
      %scan3A_61:4 = scf.for %scan3A_213 = %scan3A to %scan3A_59 step %scan3A_60 iter_args(%scan3A_214 = %get3A_27, %scan3A_215 = %get3A_29, %scan3A_216 = %get3A_53, %scan3A_217 = %get3A_57) -> (vector<16xf32>, vector<16xf32>, vector<16xf32>, vector<16xf32>)  : i32 {
        %add3A = arith.constant 1 : i32
        %add3A_218 = arith.addi %scan3A_213, %add3A : i32
        %min3A = arith.constant 1023 : i32
        %min3A_219 = arith.minsi %add3A_218, %min3A : i32
        %get3A_220 = arith.index_cast %min3A_219 : i32 to index
        %get3A_221 = arith.constant 0 : index
        %get3A_222 = tpu.vector_load %arg8[%get3A_220, %get3A_221] {strides = array<i32>} : memref<1024x16xf32, #tpu.memory_space<vmem>>, vector<16xf32>,
        %get3A_223 = arith.index_cast %min3A_219 : i32 to index
        %get3A_224 = arith.constant 0 : index
        %get3A_225 = tpu.vector_load %arg10[%get3A_223, %get3A_224] {strides = array<i32>} : memref<1024x16xf32, #tpu.memory_space<vmem>>, vector<16xf32>,
        %add3A_226 = arith.addf %scan3A_217, %broadcast_in_dim3A_32 : vector<16xf32>
        %sub3A = arith.subf %add3A_226, %scan3A_215 : vector<16xf32>
        %add3A_227 = arith.addf %scan3A_217, %broadcast_in_dim3A_34 : vector<16xf32>
        %sub3A_228 = arith.subf %add3A_227, %scan3A_215 : vector<16xf32>
        %add3A_229 = arith.addf %scan3A_217, %broadcast_in_dim3A_36 : vector<16xf32>
        %sub3A_230 = arith.subf %add3A_229, %scan3A_215 : vector<16xf32>
        %add3A_231 = arith.addf %scan3A_216, %scan3A_214 : vector<16xf32>
        %add3A_232 = arith.addf %add3A_231, %broadcast_in_dim3A_32 : vector<16xf32>
        %max3A = arith.maximumf %add3A_232, %sub3A_228 : vector<16xf32>
        %min3A_233 = arith.minimumf %max3A, %sub3A_230 : vector<16xf32>
        %sub3A_234 = arith.subf %min3A_233, %broadcast_in_dim3A_32 : vector<16xf32>
        %sub3A_235 = arith.subf %add3A_231, %sub3A_234 : vector<16xf32>
        %sub3A_236 = arith.subf %min3A_233, %sub3A : vector<16xf32>
        %add3A_237 = arith.constant 0 : i32
        %add3A_238 = arith.addi %add3A_237, %scan3A_213 : i32
        %broadcast_in_dim3A_239 = vector.broadcast %add3A_238 : i32 to vector<16xi32>
        %lt3A = arith.cmpi slt, %broadcast_in_dim3A_239, %get3A_31 : vector<16xi32>
        %select_n3A = arith.select %lt3A, %sub3A_234, %broadcast_in_dim3A_38 : vector<16xi1>, vector<16xf32>
        %swap3A = arith.index_cast %scan3A_213 : i32 to index
        %swap3A_240 = arith.constant 0 : index
        %swap3A_241 = tpu.vector_load %arg12[%swap3A, %swap3A_240] {strides = array<i32>} : memref<1024x16xf32, #tpu.memory_space<vmem>>, vector<16xf32>,
        tpu.vector_store %arg12[%swap3A, %swap3A_240], %select_n3A {strides = array<i32>} : memref<1024x16xf32, #tpu.memory_space<vmem>>, vector<16xf32>,
        %scan3A_242 = arith.constant 1 : i32
        %scan3A_243 = arith.addi %scan3A_213, %scan3A_242 : i32
        %add3A_244 = arith.constant 1 : i32
        %add3A_245 = arith.addi %scan3A_243, %add3A_244 : i32
        %min3A_246 = arith.constant 1023 : i32
        %min3A_247 = arith.minsi %add3A_245, %min3A_246 : i32
        %get3A_248 = arith.index_cast %min3A_247 : i32 to index
        %get3A_249 = arith.constant 0 : index
        %get3A_250 = tpu.vector_load %arg8[%get3A_248, %get3A_249] {strides = array<i32>} : memref<1024x16xf32, #tpu.memory_space<vmem>>, vector<16xf32>,
        %get3A_251 = arith.index_cast %min3A_247 : i32 to index
        %get3A_252 = arith.constant 0 : index
        %get3A_253 = tpu.vector_load %arg10[%get3A_251, %get3A_252] {strides = array<i32>} : memref<1024x16xf32, #tpu.memory_space<vmem>>, vector<16xf32>,
        %add3A_254 = arith.addf %get3A_225, %broadcast_in_dim3A_32 : vector<16xf32>
        %sub3A_255 = arith.subf %add3A_254, %sub3A_236 : vector<16xf32>
        %add3A_256 = arith.addf %get3A_225, %broadcast_in_dim3A_34 : vector<16xf32>
        %sub3A_257 = arith.subf %add3A_256, %sub3A_236 : vector<16xf32>
        %add3A_258 = arith.addf %get3A_225, %broadcast_in_dim3A_36 : vector<16xf32>
        %sub3A_259 = arith.subf %add3A_258, %sub3A_236 : vector<16xf32>
        %add3A_260 = arith.addf %get3A_222, %sub3A_235 : vector<16xf32>
        %add3A_261 = arith.addf %add3A_260, %broadcast_in_dim3A_32 : vector<16xf32>
        %max3A_262 = arith.maximumf %add3A_261, %sub3A_257 : vector<16xf32>
        %min3A_263 = arith.minimumf %max3A_262, %sub3A_259 : vector<16xf32>
        %sub3A_264 = arith.subf %min3A_263, %broadcast_in_dim3A_32 : vector<16xf32>
        %sub3A_265 = arith.subf %add3A_260, %sub3A_264 : vector<16xf32>
        %sub3A_266 = arith.subf %min3A_263, %sub3A_255 : vector<16xf32>
        %add3A_267 = arith.constant 0 : i32
        %add3A_268 = arith.addi %add3A_267, %scan3A_243 : i32
        %broadcast_in_dim3A_269 = vector.broadcast %add3A_268 : i32 to vector<16xi32>
        %lt3A_270 = arith.cmpi slt, %broadcast_in_dim3A_269, %get3A_31 : vector<16xi32>
        %select_n3A_271 = arith.select %lt3A_270, %sub3A_264, %broadcast_in_dim3A_38 : vector<16xi1>, vector<16xf32>
        %swap3A_272 = arith.index_cast %scan3A_243 : i32 to index
        %swap3A_273 = arith.constant 0 : index
        %swap3A_274 = tpu.vector_load %arg12[%swap3A_272, %swap3A_273] {strides = array<i32>} : memref<1024x16xf32, #tpu.memory_space<vmem>>, vector<16xf32>,
        tpu.vector_store %arg12[%swap3A_272, %swap3A_273], %select_n3A_271 {strides = array<i32>} : memref<1024x16xf32, #tpu.memory_space<vmem>>, vector<16xf32>,
        %scan3A_275 = arith.constant 2 : i32
        %scan3A_276 = arith.addi %scan3A_213, %scan3A_275 : i32
        %add3A_277 = arith.constant 1 : i32
        %add3A_278 = arith.addi %scan3A_276, %add3A_277 : i32
        %min3A_279 = arith.constant 1023 : i32
        %min3A_280 = arith.minsi %add3A_278, %min3A_279 : i32
        %get3A_281 = arith.index_cast %min3A_280 : i32 to index
        %get3A_282 = arith.constant 0 : index
        %get3A_283 = tpu.vector_load %arg8[%get3A_281, %get3A_282] {strides = array<i32>} : memref<1024x16xf32, #tpu.memory_space<vmem>>, vector<16xf32>,
        %get3A_284 = arith.index_cast %min3A_280 : i32 to index
        %get3A_285 = arith.constant 0 : index
        %get3A_286 = tpu.vector_load %arg10[%get3A_284, %get3A_285] {strides = array<i32>} : memref<1024x16xf32, #tpu.memory_space<vmem>>, vector<16xf32>,
        %add3A_287 = arith.addf %get3A_253, %broadcast_in_dim3A_32 : vector<16xf32>
        %sub3A_288 = arith.subf %add3A_287, %sub3A_266 : vector<16xf32>
        %add3A_289 = arith.addf %get3A_253, %broadcast_in_dim3A_34 : vector<16xf32>
        %sub3A_290 = arith.subf %add3A_289, %sub3A_266 : vector<16xf32>
        %add3A_291 = arith.addf %get3A_253, %broadcast_in_dim3A_36 : vector<16xf32>
        %sub3A_292 = arith.subf %add3A_291, %sub3A_266 : vector<16xf32>
        %add3A_293 = arith.addf %get3A_250, %sub3A_265 : vector<16xf32>
        %add3A_294 = arith.addf %add3A_293, %broadcast_in_dim3A_32 : vector<16xf32>
        %max3A_295 = arith.maximumf %add3A_294, %sub3A_290 : vector<16xf32>
        %min3A_296 = arith.minimumf %max3A_295, %sub3A_292 : vector<16xf32>
        %sub3A_297 = arith.subf %min3A_296, %broadcast_in_dim3A_32 : vector<16xf32>
        %sub3A_298 = arith.subf %add3A_293, %sub3A_297 : vector<16xf32>
        %sub3A_299 = arith.subf %min3A_296, %sub3A_288 : vector<16xf32>
        %add3A_300 = arith.constant 0 : i32
        %add3A_301 = arith.addi %add3A_300, %scan3A_276 : i32
        %broadcast_in_dim3A_302 = vector.broadcast %add3A_301 : i32 to vector<16xi32>
        %lt3A_303 = arith.cmpi slt, %broadcast_in_dim3A_302, %get3A_31 : vector<16xi32>
        %select_n3A_304 = arith.select %lt3A_303, %sub3A_297, %broadcast_in_dim3A_38 : vector<16xi1>, vector<16xf32>
        %swap3A_305 = arith.index_cast %scan3A_276 : i32 to index
        %swap3A_306 = arith.constant 0 : index
        %swap3A_307 = tpu.vector_load %arg12[%swap3A_305, %swap3A_306] {strides = array<i32>} : memref<1024x16xf32, #tpu.memory_space<vmem>>, vector<16xf32>,
        tpu.vector_store %arg12[%swap3A_305, %swap3A_306], %select_n3A_304 {strides = array<i32>} : memref<1024x16xf32, #tpu.memory_space<vmem>>, vector<16xf32>,
        %scan3A_308 = arith.constant 3 : i32
        %scan3A_309 = arith.addi %scan3A_213, %scan3A_308 : i32
        %add3A_310 = arith.constant 1 : i32
        %add3A_311 = arith.addi %scan3A_309, %add3A_310 : i32
        %min3A_312 = arith.constant 1023 : i32
        %min3A_313 = arith.minsi %add3A_311, %min3A_312 : i32
        %get3A_314 = arith.index_cast %min3A_313 : i32 to index
        %get3A_315 = arith.constant 0 : index
        %get3A_316 = tpu.vector_load %arg8[%get3A_314, %get3A_315] {strides = array<i32>} : memref<1024x16xf32, #tpu.memory_space<vmem>>, vector<16xf32>,
        %get3A_317 = arith.index_cast %min3A_313 : i32 to index
        %get3A_318 = arith.constant 0 : index
        %get3A_319 = tpu.vector_load %arg10[%get3A_317, %get3A_318] {strides = array<i32>} : memref<1024x16xf32, #tpu.memory_space<vmem>>, vector<16xf32>,
        %add3A_320 = arith.addf %get3A_286, %broadcast_in_dim3A_32 : vector<16xf32>
        %sub3A_321 = arith.subf %add3A_320, %sub3A_299 : vector<16xf32>
        %add3A_322 = arith.addf %get3A_286, %broadcast_in_dim3A_34 : vector<16xf32>
        %sub3A_323 = arith.subf %add3A_322, %sub3A_299 : vector<16xf32>
        %add3A_324 = arith.addf %get3A_286, %broadcast_in_dim3A_36 : vector<16xf32>
        %sub3A_325 = arith.subf %add3A_324, %sub3A_299 : vector<16xf32>
        %add3A_326 = arith.addf %get3A_283, %sub3A_298 : vector<16xf32>
        %add3A_327 = arith.addf %add3A_326, %broadcast_in_dim3A_32 : vector<16xf32>
        %max3A_328 = arith.maximumf %add3A_327, %sub3A_323 : vector<16xf32>
        %min3A_329 = arith.minimumf %max3A_328, %sub3A_325 : vector<16xf32>
        %sub3A_330 = arith.subf %min3A_329, %broadcast_in_dim3A_32 : vector<16xf32>
        %sub3A_331 = arith.subf %add3A_326, %sub3A_330 : vector<16xf32>
        %sub3A_332 = arith.subf %min3A_329, %sub3A_321 : vector<16xf32>
        %add3A_333 = arith.constant 0 : i32
        %add3A_334 = arith.addi %add3A_333, %scan3A_309 : i32
        %broadcast_in_dim3A_335 = vector.broadcast %add3A_334 : i32 to vector<16xi32>
        %lt3A_336 = arith.cmpi slt, %broadcast_in_dim3A_335, %get3A_31 : vector<16xi32>
        %select_n3A_337 = arith.select %lt3A_336, %sub3A_330, %broadcast_in_dim3A_38 : vector<16xi1>, vector<16xf32>
        %swap3A_338 = arith.index_cast %scan3A_309 : i32 to index
        %swap3A_339 = arith.constant 0 : index
        %swap3A_340 = tpu.vector_load %arg12[%swap3A_338, %swap3A_339] {strides = array<i32>} : memref<1024x16xf32, #tpu.memory_space<vmem>>, vector<16xf32>,
        tpu.vector_store %arg12[%swap3A_338, %swap3A_339], %select_n3A_337 {strides = array<i32>} : memref<1024x16xf32, #tpu.memory_space<vmem>>, vector<16xf32>,
        scf.yield %sub3A_331, %sub3A_332, %get3A_316, %get3A_319 : vector<16xf32>, vector<16xf32>, vector<16xf32>, vector<16xf32>
      }
      %scan3A_62 = arith.constant 1024 : i32
      %dma_start3A_63 = arith.constant 0 : i32
      %dma_start3A_64 = arith.constant 0 : i32
      %dma_start3A_65 = tpu.memref_slice %arg7[%dma_start3A_63, %dma_start3A_64] : memref<4096x16xf32, #tpu.memory_space<hbm>> -> memref<1024x16xf32, #tpu.memory_space<hbm>>
      %dma_start3A_66 = arith.constant 0 : i32
      %dma_start3A_67 = arith.constant 0 : i32
      %dma_start3A_68 = tpu.memref_slice %arg7[%dma_start3A_66, %dma_start3A_67] : memref<4096x16xf32, #tpu.memory_space<hbm>> -> memref<1024x16xf32, #tpu.memory_space<hbm>>
      tpu.enqueue_dma source(%arg12 : memref<1024x16xf32, #tpu.memory_space<vmem>>) target(%dma_start3A_68 : memref<1024x16xf32, #tpu.memory_space<hbm>>) target_semaphore(%arg21 : memref<!tpu.dma_semaphore, #tpu.memory_space<semaphore_mem>>)
      %dma_start3A_69 = arith.constant 2048 : i32
      %dma_start3A_70 = arith.constant 0 : i32
      %dma_start3A_71 = tpu.memref_slice %arg2[%dma_start3A_69, %dma_start3A_70] : memref<4096x16xf32, #tpu.memory_space<hbm>> -> memref<1024x16xf32, #tpu.memory_space<hbm>>
      %dma_start3A_72 = arith.constant 2048 : i32
      %dma_start3A_73 = arith.constant 0 : i32
      %dma_start3A_74 = tpu.memref_slice %arg2[%dma_start3A_72, %dma_start3A_73] : memref<4096x16xf32, #tpu.memory_space<hbm>> -> memref<1024x16xf32, #tpu.memory_space<hbm>>
      tpu.enqueue_dma source(%dma_start3A_74 : memref<1024x16xf32, #tpu.memory_space<hbm>>) target(%arg8 : memref<1024x16xf32, #tpu.memory_space<vmem>>) target_semaphore(%arg17 : memref<!tpu.dma_semaphore, #tpu.memory_space<semaphore_mem>>)
      %dma_start3A_75 = arith.constant 2048 : i32
      %dma_start3A_76 = arith.constant 0 : i32
      %dma_start3A_77 = tpu.memref_slice %arg3[%dma_start3A_75, %dma_start3A_76] : memref<4096x16xf32, #tpu.memory_space<hbm>> -> memref<1024x16xf32, #tpu.memory_space<hbm>>
      %dma_start3A_78 = arith.constant 2048 : i32
      %dma_start3A_79 = arith.constant 0 : i32
      %dma_start3A_80 = tpu.memref_slice %arg3[%dma_start3A_78, %dma_start3A_79] : memref<4096x16xf32, #tpu.memory_space<hbm>> -> memref<1024x16xf32, #tpu.memory_space<hbm>>
      tpu.enqueue_dma source(%dma_start3A_80 : memref<1024x16xf32, #tpu.memory_space<hbm>>) target(%arg10 : memref<1024x16xf32, #tpu.memory_space<vmem>>) target_semaphore(%arg19 : memref<!tpu.dma_semaphore, #tpu.memory_space<semaphore_mem>>)
      %dma_wait3A_81 = arith.constant 1024 : i32
      %dma_wait3A_82 = arith.constant 0 : i32
      %dma_wait3A_83 = tpu.memref_slice %arg2[%dma_wait3A_81, %dma_wait3A_82] : memref<4096x16xf32, #tpu.memory_space<hbm>> -> memref<1024x16xf32, #tpu.memory_space<hbm>>
      %dma_wait3A_84 = arith.constant 1024 : i32
      %dma_wait3A_85 = arith.constant 0 : i32
      %dma_wait3A_86 = tpu.memref_slice %arg2[%dma_wait3A_84, %dma_wait3A_85] : memref<4096x16xf32, #tpu.memory_space<hbm>> -> memref<1024x16xf32, #tpu.memory_space<hbm>>
      tpu.wait_dma2 semaphore(%arg18 : memref<!tpu.dma_semaphore, #tpu.memory_space<semaphore_mem>>) src(%dma_wait3A_86 : memref<1024x16xf32, #tpu.memory_space<hbm>>) dst(%arg9 : memref<1024x16xf32, #tpu.memory_space<vmem>>)
      %dma_wait3A_87 = arith.constant 1024 : i32
      %dma_wait3A_88 = arith.constant 0 : i32
      %dma_wait3A_89 = tpu.memref_slice %arg3[%dma_wait3A_87, %dma_wait3A_88] : memref<4096x16xf32, #tpu.memory_space<hbm>> -> memref<1024x16xf32, #tpu.memory_space<hbm>>
      %dma_wait3A_90 = arith.constant 1024 : i32
      %dma_wait3A_91 = arith.constant 0 : i32
      %dma_wait3A_92 = tpu.memref_slice %arg3[%dma_wait3A_90, %dma_wait3A_91] : memref<4096x16xf32, #tpu.memory_space<hbm>> -> memref<1024x16xf32, #tpu.memory_space<hbm>>
      tpu.wait_dma2 semaphore(%arg20 : memref<!tpu.dma_semaphore, #tpu.memory_space<semaphore_mem>>) src(%dma_wait3A_92 : memref<1024x16xf32, #tpu.memory_space<hbm>>) dst(%arg11 : memref<1024x16xf32, #tpu.memory_space<vmem>>)
      %get3A_93 = arith.constant 0 : i32
      %get3A_94 = arith.index_cast %get3A_93 : i32 to index
      %get3A_95 = arith.constant 0 : index
      %get3A_96 = tpu.vector_load %arg9[%get3A_94, %get3A_95] {strides = array<i32>} : memref<1024x16xf32, #tpu.memory_space<vmem>>, vector<16xf32>,
      %get3A_97 = arith.constant 0 : i32
      %get3A_98 = arith.index_cast %get3A_97 : i32 to index
      %get3A_99 = arith.constant 0 : index
      %get3A_100 = tpu.vector_load %arg11[%get3A_98, %get3A_99] {strides = array<i32>} : memref<1024x16xf32, #tpu.memory_space<vmem>>, vector<16xf32>,
      %scan3A_101 = arith.constant 0 : i32
      %scan3A_102 = arith.constant 1024 : i32
      %scan3A_103 = arith.addi %scan3A_101, %scan3A_102 : i32
      %scan3A_104 = arith.constant 4 : i32
      %scan3A_105:4 = scf.for %scan3A_213 = %scan3A_101 to %scan3A_103 step %scan3A_104 iter_args(%scan3A_214 = %scan3A_61#0, %scan3A_215 = %scan3A_61#1, %scan3A_216 = %get3A_96, %scan3A_217 = %get3A_100) -> (vector<16xf32>, vector<16xf32>, vector<16xf32>, vector<16xf32>)  : i32 {
        %add3A = arith.constant 1 : i32
        %add3A_218 = arith.addi %scan3A_213, %add3A : i32
        %min3A = arith.constant 1023 : i32
        %min3A_219 = arith.minsi %add3A_218, %min3A : i32
        %get3A_220 = arith.index_cast %min3A_219 : i32 to index
        %get3A_221 = arith.constant 0 : index
        %get3A_222 = tpu.vector_load %arg9[%get3A_220, %get3A_221] {strides = array<i32>} : memref<1024x16xf32, #tpu.memory_space<vmem>>, vector<16xf32>,
        %get3A_223 = arith.index_cast %min3A_219 : i32 to index
        %get3A_224 = arith.constant 0 : index
        %get3A_225 = tpu.vector_load %arg11[%get3A_223, %get3A_224] {strides = array<i32>} : memref<1024x16xf32, #tpu.memory_space<vmem>>, vector<16xf32>,
        %add3A_226 = arith.addf %scan3A_217, %broadcast_in_dim3A_32 : vector<16xf32>
        %sub3A = arith.subf %add3A_226, %scan3A_215 : vector<16xf32>
        %add3A_227 = arith.addf %scan3A_217, %broadcast_in_dim3A_34 : vector<16xf32>
        %sub3A_228 = arith.subf %add3A_227, %scan3A_215 : vector<16xf32>
        %add3A_229 = arith.addf %scan3A_217, %broadcast_in_dim3A_36 : vector<16xf32>
        %sub3A_230 = arith.subf %add3A_229, %scan3A_215 : vector<16xf32>
        %add3A_231 = arith.addf %scan3A_216, %scan3A_214 : vector<16xf32>
        %add3A_232 = arith.addf %add3A_231, %broadcast_in_dim3A_32 : vector<16xf32>
        %max3A = arith.maximumf %add3A_232, %sub3A_228 : vector<16xf32>
        %min3A_233 = arith.minimumf %max3A, %sub3A_230 : vector<16xf32>
        %sub3A_234 = arith.subf %min3A_233, %broadcast_in_dim3A_32 : vector<16xf32>
        %sub3A_235 = arith.subf %add3A_231, %sub3A_234 : vector<16xf32>
        %sub3A_236 = arith.subf %min3A_233, %sub3A : vector<16xf32>
        %add3A_237 = arith.constant 1024 : i32
        %add3A_238 = arith.addi %add3A_237, %scan3A_213 : i32
        %broadcast_in_dim3A_239 = vector.broadcast %add3A_238 : i32 to vector<16xi32>
        %lt3A = arith.cmpi slt, %broadcast_in_dim3A_239, %get3A_31 : vector<16xi32>
        %select_n3A = arith.select %lt3A, %sub3A_234, %broadcast_in_dim3A_38 : vector<16xi1>, vector<16xf32>
        %swap3A = arith.index_cast %scan3A_213 : i32 to index
        %swap3A_240 = arith.constant 0 : index
        %swap3A_241 = tpu.vector_load %arg13[%swap3A, %swap3A_240] {strides = array<i32>} : memref<1024x16xf32, #tpu.memory_space<vmem>>, vector<16xf32>,
        tpu.vector_store %arg13[%swap3A, %swap3A_240], %select_n3A {strides = array<i32>} : memref<1024x16xf32, #tpu.memory_space<vmem>>, vector<16xf32>,
        %scan3A_242 = arith.constant 1 : i32
        %scan3A_243 = arith.addi %scan3A_213, %scan3A_242 : i32
        %add3A_244 = arith.constant 1 : i32
        %add3A_245 = arith.addi %scan3A_243, %add3A_244 : i32
        %min3A_246 = arith.constant 1023 : i32
        %min3A_247 = arith.minsi %add3A_245, %min3A_246 : i32
        %get3A_248 = arith.index_cast %min3A_247 : i32 to index
        %get3A_249 = arith.constant 0 : index
        %get3A_250 = tpu.vector_load %arg9[%get3A_248, %get3A_249] {strides = array<i32>} : memref<1024x16xf32, #tpu.memory_space<vmem>>, vector<16xf32>,
        %get3A_251 = arith.index_cast %min3A_247 : i32 to index
        %get3A_252 = arith.constant 0 : index
        %get3A_253 = tpu.vector_load %arg11[%get3A_251, %get3A_252] {strides = array<i32>} : memref<1024x16xf32, #tpu.memory_space<vmem>>, vector<16xf32>,
        %add3A_254 = arith.addf %get3A_225, %broadcast_in_dim3A_32 : vector<16xf32>
        %sub3A_255 = arith.subf %add3A_254, %sub3A_236 : vector<16xf32>
        %add3A_256 = arith.addf %get3A_225, %broadcast_in_dim3A_34 : vector<16xf32>
        %sub3A_257 = arith.subf %add3A_256, %sub3A_236 : vector<16xf32>
        %add3A_258 = arith.addf %get3A_225, %broadcast_in_dim3A_36 : vector<16xf32>
        %sub3A_259 = arith.subf %add3A_258, %sub3A_236 : vector<16xf32>
        %add3A_260 = arith.addf %get3A_222, %sub3A_235 : vector<16xf32>
        %add3A_261 = arith.addf %add3A_260, %broadcast_in_dim3A_32 : vector<16xf32>
        %max3A_262 = arith.maximumf %add3A_261, %sub3A_257 : vector<16xf32>
        %min3A_263 = arith.minimumf %max3A_262, %sub3A_259 : vector<16xf32>
        %sub3A_264 = arith.subf %min3A_263, %broadcast_in_dim3A_32 : vector<16xf32>
        %sub3A_265 = arith.subf %add3A_260, %sub3A_264 : vector<16xf32>
        %sub3A_266 = arith.subf %min3A_263, %sub3A_255 : vector<16xf32>
        %add3A_267 = arith.constant 1024 : i32
        %add3A_268 = arith.addi %add3A_267, %scan3A_243 : i32
        %broadcast_in_dim3A_269 = vector.broadcast %add3A_268 : i32 to vector<16xi32>
        %lt3A_270 = arith.cmpi slt, %broadcast_in_dim3A_269, %get3A_31 : vector<16xi32>
        %select_n3A_271 = arith.select %lt3A_270, %sub3A_264, %broadcast_in_dim3A_38 : vector<16xi1>, vector<16xf32>
        %swap3A_272 = arith.index_cast %scan3A_243 : i32 to index
        %swap3A_273 = arith.constant 0 : index
        %swap3A_274 = tpu.vector_load %arg13[%swap3A_272, %swap3A_273] {strides = array<i32>} : memref<1024x16xf32, #tpu.memory_space<vmem>>, vector<16xf32>,
        tpu.vector_store %arg13[%swap3A_272, %swap3A_273], %select_n3A_271 {strides = array<i32>} : memref<1024x16xf32, #tpu.memory_space<vmem>>, vector<16xf32>,
        %scan3A_275 = arith.constant 2 : i32
        %scan3A_276 = arith.addi %scan3A_213, %scan3A_275 : i32
        %add3A_277 = arith.constant 1 : i32
        %add3A_278 = arith.addi %scan3A_276, %add3A_277 : i32
        %min3A_279 = arith.constant 1023 : i32
        %min3A_280 = arith.minsi %add3A_278, %min3A_279 : i32
        %get3A_281 = arith.index_cast %min3A_280 : i32 to index
        %get3A_282 = arith.constant 0 : index
        %get3A_283 = tpu.vector_load %arg9[%get3A_281, %get3A_282] {strides = array<i32>} : memref<1024x16xf32, #tpu.memory_space<vmem>>, vector<16xf32>,
        %get3A_284 = arith.index_cast %min3A_280 : i32 to index
        %get3A_285 = arith.constant 0 : index
        %get3A_286 = tpu.vector_load %arg11[%get3A_284, %get3A_285] {strides = array<i32>} : memref<1024x16xf32, #tpu.memory_space<vmem>>, vector<16xf32>,
        %add3A_287 = arith.addf %get3A_253, %broadcast_in_dim3A_32 : vector<16xf32>
        %sub3A_288 = arith.subf %add3A_287, %sub3A_266 : vector<16xf32>
        %add3A_289 = arith.addf %get3A_253, %broadcast_in_dim3A_34 : vector<16xf32>
        %sub3A_290 = arith.subf %add3A_289, %sub3A_266 : vector<16xf32>
        %add3A_291 = arith.addf %get3A_253, %broadcast_in_dim3A_36 : vector<16xf32>
        %sub3A_292 = arith.subf %add3A_291, %sub3A_266 : vector<16xf32>
        %add3A_293 = arith.addf %get3A_250, %sub3A_265 : vector<16xf32>
        %add3A_294 = arith.addf %add3A_293, %broadcast_in_dim3A_32 : vector<16xf32>
        %max3A_295 = arith.maximumf %add3A_294, %sub3A_290 : vector<16xf32>
        %min3A_296 = arith.minimumf %max3A_295, %sub3A_292 : vector<16xf32>
        %sub3A_297 = arith.subf %min3A_296, %broadcast_in_dim3A_32 : vector<16xf32>
        %sub3A_298 = arith.subf %add3A_293, %sub3A_297 : vector<16xf32>
        %sub3A_299 = arith.subf %min3A_296, %sub3A_288 : vector<16xf32>
        %add3A_300 = arith.constant 1024 : i32
        %add3A_301 = arith.addi %add3A_300, %scan3A_276 : i32
        %broadcast_in_dim3A_302 = vector.broadcast %add3A_301 : i32 to vector<16xi32>
        %lt3A_303 = arith.cmpi slt, %broadcast_in_dim3A_302, %get3A_31 : vector<16xi32>
        %select_n3A_304 = arith.select %lt3A_303, %sub3A_297, %broadcast_in_dim3A_38 : vector<16xi1>, vector<16xf32>
        %swap3A_305 = arith.index_cast %scan3A_276 : i32 to index
        %swap3A_306 = arith.constant 0 : index
        %swap3A_307 = tpu.vector_load %arg13[%swap3A_305, %swap3A_306] {strides = array<i32>} : memref<1024x16xf32, #tpu.memory_space<vmem>>, vector<16xf32>,
        tpu.vector_store %arg13[%swap3A_305, %swap3A_306], %select_n3A_304 {strides = array<i32>} : memref<1024x16xf32, #tpu.memory_space<vmem>>, vector<16xf32>,
        %scan3A_308 = arith.constant 3 : i32
        %scan3A_309 = arith.addi %scan3A_213, %scan3A_308 : i32
        %add3A_310 = arith.constant 1 : i32
        %add3A_311 = arith.addi %scan3A_309, %add3A_310 : i32
        %min3A_312 = arith.constant 1023 : i32
        %min3A_313 = arith.minsi %add3A_311, %min3A_312 : i32
        %get3A_314 = arith.index_cast %min3A_313 : i32 to index
        %get3A_315 = arith.constant 0 : index
        %get3A_316 = tpu.vector_load %arg9[%get3A_314, %get3A_315] {strides = array<i32>} : memref<1024x16xf32, #tpu.memory_space<vmem>>, vector<16xf32>,
        %get3A_317 = arith.index_cast %min3A_313 : i32 to index
        %get3A_318 = arith.constant 0 : index
        %get3A_319 = tpu.vector_load %arg11[%get3A_317, %get3A_318] {strides = array<i32>} : memref<1024x16xf32, #tpu.memory_space<vmem>>, vector<16xf32>,
        %add3A_320 = arith.addf %get3A_286, %broadcast_in_dim3A_32 : vector<16xf32>
        %sub3A_321 = arith.subf %add3A_320, %sub3A_299 : vector<16xf32>
        %add3A_322 = arith.addf %get3A_286, %broadcast_in_dim3A_34 : vector<16xf32>
        %sub3A_323 = arith.subf %add3A_322, %sub3A_299 : vector<16xf32>
        %add3A_324 = arith.addf %get3A_286, %broadcast_in_dim3A_36 : vector<16xf32>
        %sub3A_325 = arith.subf %add3A_324, %sub3A_299 : vector<16xf32>
        %add3A_326 = arith.addf %get3A_283, %sub3A_298 : vector<16xf32>
        %add3A_327 = arith.addf %add3A_326, %broadcast_in_dim3A_32 : vector<16xf32>
        %max3A_328 = arith.maximumf %add3A_327, %sub3A_323 : vector<16xf32>
        %min3A_329 = arith.minimumf %max3A_328, %sub3A_325 : vector<16xf32>
        %sub3A_330 = arith.subf %min3A_329, %broadcast_in_dim3A_32 : vector<16xf32>
        %sub3A_331 = arith.subf %add3A_326, %sub3A_330 : vector<16xf32>
        %sub3A_332 = arith.subf %min3A_329, %sub3A_321 : vector<16xf32>
        %add3A_333 = arith.constant 1024 : i32
        %add3A_334 = arith.addi %add3A_333, %scan3A_309 : i32
        %broadcast_in_dim3A_335 = vector.broadcast %add3A_334 : i32 to vector<16xi32>
        %lt3A_336 = arith.cmpi slt, %broadcast_in_dim3A_335, %get3A_31 : vector<16xi32>
        %select_n3A_337 = arith.select %lt3A_336, %sub3A_330, %broadcast_in_dim3A_38 : vector<16xi1>, vector<16xf32>
        %swap3A_338 = arith.index_cast %scan3A_309 : i32 to index
        %swap3A_339 = arith.constant 0 : index
        %swap3A_340 = tpu.vector_load %arg13[%swap3A_338, %swap3A_339] {strides = array<i32>} : memref<1024x16xf32, #tpu.memory_space<vmem>>, vector<16xf32>,
        tpu.vector_store %arg13[%swap3A_338, %swap3A_339], %select_n3A_337 {strides = array<i32>} : memref<1024x16xf32, #tpu.memory_space<vmem>>, vector<16xf32>,
        scf.yield %sub3A_331, %sub3A_332, %get3A_316, %get3A_319 : vector<16xf32>, vector<16xf32>, vector<16xf32>, vector<16xf32>
      }
      %scan3A_106 = arith.constant 1024 : i32
      %dma_start3A_107 = arith.constant 1024 : i32
      %dma_start3A_108 = arith.constant 0 : i32
      %dma_start3A_109 = tpu.memref_slice %arg7[%dma_start3A_107, %dma_start3A_108] : memref<4096x16xf32, #tpu.memory_space<hbm>> -> memref<1024x16xf32, #tpu.memory_space<hbm>>
      %dma_start3A_110 = arith.constant 1024 : i32
      %dma_start3A_111 = arith.constant 0 : i32
      %dma_start3A_112 = tpu.memref_slice %arg7[%dma_start3A_110, %dma_start3A_111] : memref<4096x16xf32, #tpu.memory_space<hbm>> -> memref<1024x16xf32, #tpu.memory_space<hbm>>
      tpu.enqueue_dma source(%arg13 : memref<1024x16xf32, #tpu.memory_space<vmem>>) target(%dma_start3A_112 : memref<1024x16xf32, #tpu.memory_space<hbm>>) target_semaphore(%arg22 : memref<!tpu.dma_semaphore, #tpu.memory_space<semaphore_mem>>)
      %dma_start3A_113 = arith.constant 3072 : i32
      %dma_start3A_114 = arith.constant 0 : i32
      %dma_start3A_115 = tpu.memref_slice %arg2[%dma_start3A_113, %dma_start3A_114] : memref<4096x16xf32, #tpu.memory_space<hbm>> -> memref<1024x16xf32, #tpu.memory_space<hbm>>
      %dma_start3A_116 = arith.constant 3072 : i32
      %dma_start3A_117 = arith.constant 0 : i32
      %dma_start3A_118 = tpu.memref_slice %arg2[%dma_start3A_116, %dma_start3A_117] : memref<4096x16xf32, #tpu.memory_space<hbm>> -> memref<1024x16xf32, #tpu.memory_space<hbm>>
      tpu.enqueue_dma source(%dma_start3A_118 : memref<1024x16xf32, #tpu.memory_space<hbm>>) target(%arg9 : memref<1024x16xf32, #tpu.memory_space<vmem>>) target_semaphore(%arg18 : memref<!tpu.dma_semaphore, #tpu.memory_space<semaphore_mem>>)
      %dma_start3A_119 = arith.constant 3072 : i32
      %dma_start3A_120 = arith.constant 0 : i32
      %dma_start3A_121 = tpu.memref_slice %arg3[%dma_start3A_119, %dma_start3A_120] : memref<4096x16xf32, #tpu.memory_space<hbm>> -> memref<1024x16xf32, #tpu.memory_space<hbm>>
      %dma_start3A_122 = arith.constant 3072 : i32
      %dma_start3A_123 = arith.constant 0 : i32
      %dma_start3A_124 = tpu.memref_slice %arg3[%dma_start3A_122, %dma_start3A_123] : memref<4096x16xf32, #tpu.memory_space<hbm>> -> memref<1024x16xf32, #tpu.memory_space<hbm>>
      tpu.enqueue_dma source(%dma_start3A_124 : memref<1024x16xf32, #tpu.memory_space<hbm>>) target(%arg11 : memref<1024x16xf32, #tpu.memory_space<vmem>>) target_semaphore(%arg20 : memref<!tpu.dma_semaphore, #tpu.memory_space<semaphore_mem>>)
      %dma_wait3A_125 = arith.constant 2048 : i32
      %dma_wait3A_126 = arith.constant 0 : i32
      %dma_wait3A_127 = tpu.memref_slice %arg2[%dma_wait3A_125, %dma_wait3A_126] : memref<4096x16xf32, #tpu.memory_space<hbm>> -> memref<1024x16xf32, #tpu.memory_space<hbm>>
      %dma_wait3A_128 = arith.constant 2048 : i32
      %dma_wait3A_129 = arith.constant 0 : i32
      %dma_wait3A_130 = tpu.memref_slice %arg2[%dma_wait3A_128, %dma_wait3A_129] : memref<4096x16xf32, #tpu.memory_space<hbm>> -> memref<1024x16xf32, #tpu.memory_space<hbm>>
      tpu.wait_dma2 semaphore(%arg17 : memref<!tpu.dma_semaphore, #tpu.memory_space<semaphore_mem>>) src(%dma_wait3A_130 : memref<1024x16xf32, #tpu.memory_space<hbm>>) dst(%arg8 : memref<1024x16xf32, #tpu.memory_space<vmem>>)
      %dma_wait3A_131 = arith.constant 2048 : i32
      %dma_wait3A_132 = arith.constant 0 : i32
      %dma_wait3A_133 = tpu.memref_slice %arg3[%dma_wait3A_131, %dma_wait3A_132] : memref<4096x16xf32, #tpu.memory_space<hbm>> -> memref<1024x16xf32, #tpu.memory_space<hbm>>
      %dma_wait3A_134 = arith.constant 2048 : i32
      %dma_wait3A_135 = arith.constant 0 : i32
      %dma_wait3A_136 = tpu.memref_slice %arg3[%dma_wait3A_134, %dma_wait3A_135] : memref<4096x16xf32, #tpu.memory_space<hbm>> -> memref<1024x16xf32, #tpu.memory_space<hbm>>
      tpu.wait_dma2 semaphore(%arg19 : memref<!tpu.dma_semaphore, #tpu.memory_space<semaphore_mem>>) src(%dma_wait3A_136 : memref<1024x16xf32, #tpu.memory_space<hbm>>) dst(%arg10 : memref<1024x16xf32, #tpu.memory_space<vmem>>)
      %dma_wait3A_137 = arith.constant 0 : i32
      %dma_wait3A_138 = arith.constant 0 : i32
      %dma_wait3A_139 = tpu.memref_slice %arg7[%dma_wait3A_137, %dma_wait3A_138] : memref<4096x16xf32, #tpu.memory_space<hbm>> -> memref<1024x16xf32, #tpu.memory_space<hbm>>
      %dma_wait3A_140 = arith.constant 0 : i32
      %dma_wait3A_141 = arith.constant 0 : i32
      %dma_wait3A_142 = tpu.memref_slice %arg7[%dma_wait3A_140, %dma_wait3A_141] : memref<4096x16xf32, #tpu.memory_space<hbm>> -> memref<1024x16xf32, #tpu.memory_space<hbm>>
      tpu.wait_dma2 semaphore(%arg21 : memref<!tpu.dma_semaphore, #tpu.memory_space<semaphore_mem>>) src(%arg12 : memref<1024x16xf32, #tpu.memory_space<vmem>>) dst(%dma_wait3A_142 : memref<1024x16xf32, #tpu.memory_space<hbm>>)
      %get3A_143 = arith.constant 0 : i32
      %get3A_144 = arith.index_cast %get3A_143 : i32 to index
      %get3A_145 = arith.constant 0 : index
      %get3A_146 = tpu.vector_load %arg8[%get3A_144, %get3A_145] {strides = array<i32>} : memref<1024x16xf32, #tpu.memory_space<vmem>>, vector<16xf32>,
      %get3A_147 = arith.constant 0 : i32
      %get3A_148 = arith.index_cast %get3A_147 : i32 to index
      %get3A_149 = arith.constant 0 : index
      %get3A_150 = tpu.vector_load %arg10[%get3A_148, %get3A_149] {strides = array<i32>} : memref<1024x16xf32, #tpu.memory_space<vmem>>, vector<16xf32>,
      %scan3A_151 = arith.constant 0 : i32
      %scan3A_152 = arith.constant 1024 : i32
      %scan3A_153 = arith.addi %scan3A_151, %scan3A_152 : i32
      %scan3A_154 = arith.constant 4 : i32
      %scan3A_155:4 = scf.for %scan3A_213 = %scan3A_151 to %scan3A_153 step %scan3A_154 iter_args(%scan3A_214 = %scan3A_105#0, %scan3A_215 = %scan3A_105#1, %scan3A_216 = %get3A_146, %scan3A_217 = %get3A_150) -> (vector<16xf32>, vector<16xf32>, vector<16xf32>, vector<16xf32>)  : i32 {
        %add3A = arith.constant 1 : i32
        %add3A_218 = arith.addi %scan3A_213, %add3A : i32
        %min3A = arith.constant 1023 : i32
        %min3A_219 = arith.minsi %add3A_218, %min3A : i32
        %get3A_220 = arith.index_cast %min3A_219 : i32 to index
        %get3A_221 = arith.constant 0 : index
        %get3A_222 = tpu.vector_load %arg8[%get3A_220, %get3A_221] {strides = array<i32>} : memref<1024x16xf32, #tpu.memory_space<vmem>>, vector<16xf32>,
        %get3A_223 = arith.index_cast %min3A_219 : i32 to index
        %get3A_224 = arith.constant 0 : index
        %get3A_225 = tpu.vector_load %arg10[%get3A_223, %get3A_224] {strides = array<i32>} : memref<1024x16xf32, #tpu.memory_space<vmem>>, vector<16xf32>,
        %add3A_226 = arith.addf %scan3A_217, %broadcast_in_dim3A_32 : vector<16xf32>
        %sub3A = arith.subf %add3A_226, %scan3A_215 : vector<16xf32>
        %add3A_227 = arith.addf %scan3A_217, %broadcast_in_dim3A_34 : vector<16xf32>
        %sub3A_228 = arith.subf %add3A_227, %scan3A_215 : vector<16xf32>
        %add3A_229 = arith.addf %scan3A_217, %broadcast_in_dim3A_36 : vector<16xf32>
        %sub3A_230 = arith.subf %add3A_229, %scan3A_215 : vector<16xf32>
        %add3A_231 = arith.addf %scan3A_216, %scan3A_214 : vector<16xf32>
        %add3A_232 = arith.addf %add3A_231, %broadcast_in_dim3A_32 : vector<16xf32>
        %max3A = arith.maximumf %add3A_232, %sub3A_228 : vector<16xf32>
        %min3A_233 = arith.minimumf %max3A, %sub3A_230 : vector<16xf32>
        %sub3A_234 = arith.subf %min3A_233, %broadcast_in_dim3A_32 : vector<16xf32>
        %sub3A_235 = arith.subf %add3A_231, %sub3A_234 : vector<16xf32>
        %sub3A_236 = arith.subf %min3A_233, %sub3A : vector<16xf32>
        %add3A_237 = arith.constant 2048 : i32
        %add3A_238 = arith.addi %add3A_237, %scan3A_213 : i32
        %broadcast_in_dim3A_239 = vector.broadcast %add3A_238 : i32 to vector<16xi32>
        %lt3A = arith.cmpi slt, %broadcast_in_dim3A_239, %get3A_31 : vector<16xi32>
        %select_n3A = arith.select %lt3A, %sub3A_234, %broadcast_in_dim3A_38 : vector<16xi1>, vector<16xf32>
        %swap3A = arith.index_cast %scan3A_213 : i32 to index
        %swap3A_240 = arith.constant 0 : index
        %swap3A_241 = tpu.vector_load %arg12[%swap3A, %swap3A_240] {strides = array<i32>} : memref<1024x16xf32, #tpu.memory_space<vmem>>, vector<16xf32>,
        tpu.vector_store %arg12[%swap3A, %swap3A_240], %select_n3A {strides = array<i32>} : memref<1024x16xf32, #tpu.memory_space<vmem>>, vector<16xf32>,
        %scan3A_242 = arith.constant 1 : i32
        %scan3A_243 = arith.addi %scan3A_213, %scan3A_242 : i32
        %add3A_244 = arith.constant 1 : i32
        %add3A_245 = arith.addi %scan3A_243, %add3A_244 : i32
        %min3A_246 = arith.constant 1023 : i32
        %min3A_247 = arith.minsi %add3A_245, %min3A_246 : i32
        %get3A_248 = arith.index_cast %min3A_247 : i32 to index
        %get3A_249 = arith.constant 0 : index
        %get3A_250 = tpu.vector_load %arg8[%get3A_248, %get3A_249] {strides = array<i32>} : memref<1024x16xf32, #tpu.memory_space<vmem>>, vector<16xf32>,
        %get3A_251 = arith.index_cast %min3A_247 : i32 to index
        %get3A_252 = arith.constant 0 : index
        %get3A_253 = tpu.vector_load %arg10[%get3A_251, %get3A_252] {strides = array<i32>} : memref<1024x16xf32, #tpu.memory_space<vmem>>, vector<16xf32>,
        %add3A_254 = arith.addf %get3A_225, %broadcast_in_dim3A_32 : vector<16xf32>
        %sub3A_255 = arith.subf %add3A_254, %sub3A_236 : vector<16xf32>
        %add3A_256 = arith.addf %get3A_225, %broadcast_in_dim3A_34 : vector<16xf32>
        %sub3A_257 = arith.subf %add3A_256, %sub3A_236 : vector<16xf32>
        %add3A_258 = arith.addf %get3A_225, %broadcast_in_dim3A_36 : vector<16xf32>
        %sub3A_259 = arith.subf %add3A_258, %sub3A_236 : vector<16xf32>
        %add3A_260 = arith.addf %get3A_222, %sub3A_235 : vector<16xf32>
        %add3A_261 = arith.addf %add3A_260, %broadcast_in_dim3A_32 : vector<16xf32>
        %max3A_262 = arith.maximumf %add3A_261, %sub3A_257 : vector<16xf32>
        %min3A_263 = arith.minimumf %max3A_262, %sub3A_259 : vector<16xf32>
        %sub3A_264 = arith.subf %min3A_263, %broadcast_in_dim3A_32 : vector<16xf32>
        %sub3A_265 = arith.subf %add3A_260, %sub3A_264 : vector<16xf32>
        %sub3A_266 = arith.subf %min3A_263, %sub3A_255 : vector<16xf32>
        %add3A_267 = arith.constant 2048 : i32
        %add3A_268 = arith.addi %add3A_267, %scan3A_243 : i32
        %broadcast_in_dim3A_269 = vector.broadcast %add3A_268 : i32 to vector<16xi32>
        %lt3A_270 = arith.cmpi slt, %broadcast_in_dim3A_269, %get3A_31 : vector<16xi32>
        %select_n3A_271 = arith.select %lt3A_270, %sub3A_264, %broadcast_in_dim3A_38 : vector<16xi1>, vector<16xf32>
        %swap3A_272 = arith.index_cast %scan3A_243 : i32 to index
        %swap3A_273 = arith.constant 0 : index
        %swap3A_274 = tpu.vector_load %arg12[%swap3A_272, %swap3A_273] {strides = array<i32>} : memref<1024x16xf32, #tpu.memory_space<vmem>>, vector<16xf32>,
        tpu.vector_store %arg12[%swap3A_272, %swap3A_273], %select_n3A_271 {strides = array<i32>} : memref<1024x16xf32, #tpu.memory_space<vmem>>, vector<16xf32>,
        %scan3A_275 = arith.constant 2 : i32
        %scan3A_276 = arith.addi %scan3A_213, %scan3A_275 : i32
        %add3A_277 = arith.constant 1 : i32
        %add3A_278 = arith.addi %scan3A_276, %add3A_277 : i32
        %min3A_279 = arith.constant 1023 : i32
        %min3A_280 = arith.minsi %add3A_278, %min3A_279 : i32
        %get3A_281 = arith.index_cast %min3A_280 : i32 to index
        %get3A_282 = arith.constant 0 : index
        %get3A_283 = tpu.vector_load %arg8[%get3A_281, %get3A_282] {strides = array<i32>} : memref<1024x16xf32, #tpu.memory_space<vmem>>, vector<16xf32>,
        %get3A_284 = arith.index_cast %min3A_280 : i32 to index
        %get3A_285 = arith.constant 0 : index
        %get3A_286 = tpu.vector_load %arg10[%get3A_284, %get3A_285] {strides = array<i32>} : memref<1024x16xf32, #tpu.memory_space<vmem>>, vector<16xf32>,
        %add3A_287 = arith.addf %get3A_253, %broadcast_in_dim3A_32 : vector<16xf32>
        %sub3A_288 = arith.subf %add3A_287, %sub3A_266 : vector<16xf32>
        %add3A_289 = arith.addf %get3A_253, %broadcast_in_dim3A_34 : vector<16xf32>
        %sub3A_290 = arith.subf %add3A_289, %sub3A_266 : vector<16xf32>
        %add3A_291 = arith.addf %get3A_253, %broadcast_in_dim3A_36 : vector<16xf32>
        %sub3A_292 = arith.subf %add3A_291, %sub3A_266 : vector<16xf32>
        %add3A_293 = arith.addf %get3A_250, %sub3A_265 : vector<16xf32>
        %add3A_294 = arith.addf %add3A_293, %broadcast_in_dim3A_32 : vector<16xf32>
        %max3A_295 = arith.maximumf %add3A_294, %sub3A_290 : vector<16xf32>
        %min3A_296 = arith.minimumf %max3A_295, %sub3A_292 : vector<16xf32>
        %sub3A_297 = arith.subf %min3A_296, %broadcast_in_dim3A_32 : vector<16xf32>
        %sub3A_298 = arith.subf %add3A_293, %sub3A_297 : vector<16xf32>
        %sub3A_299 = arith.subf %min3A_296, %sub3A_288 : vector<16xf32>
        %add3A_300 = arith.constant 2048 : i32
        %add3A_301 = arith.addi %add3A_300, %scan3A_276 : i32
        %broadcast_in_dim3A_302 = vector.broadcast %add3A_301 : i32 to vector<16xi32>
        %lt3A_303 = arith.cmpi slt, %broadcast_in_dim3A_302, %get3A_31 : vector<16xi32>
        %select_n3A_304 = arith.select %lt3A_303, %sub3A_297, %broadcast_in_dim3A_38 : vector<16xi1>, vector<16xf32>
        %swap3A_305 = arith.index_cast %scan3A_276 : i32 to index
        %swap3A_306 = arith.constant 0 : index
        %swap3A_307 = tpu.vector_load %arg12[%swap3A_305, %swap3A_306] {strides = array<i32>} : memref<1024x16xf32, #tpu.memory_space<vmem>>, vector<16xf32>,
        tpu.vector_store %arg12[%swap3A_305, %swap3A_306], %select_n3A_304 {strides = array<i32>} : memref<1024x16xf32, #tpu.memory_space<vmem>>, vector<16xf32>,
        %scan3A_308 = arith.constant 3 : i32
        %scan3A_309 = arith.addi %scan3A_213, %scan3A_308 : i32
        %add3A_310 = arith.constant 1 : i32
        %add3A_311 = arith.addi %scan3A_309, %add3A_310 : i32
        %min3A_312 = arith.constant 1023 : i32
        %min3A_313 = arith.minsi %add3A_311, %min3A_312 : i32
        %get3A_314 = arith.index_cast %min3A_313 : i32 to index
        %get3A_315 = arith.constant 0 : index
        %get3A_316 = tpu.vector_load %arg8[%get3A_314, %get3A_315] {strides = array<i32>} : memref<1024x16xf32, #tpu.memory_space<vmem>>, vector<16xf32>,
        %get3A_317 = arith.index_cast %min3A_313 : i32 to index
        %get3A_318 = arith.constant 0 : index
        %get3A_319 = tpu.vector_load %arg10[%get3A_317, %get3A_318] {strides = array<i32>} : memref<1024x16xf32, #tpu.memory_space<vmem>>, vector<16xf32>,
        %add3A_320 = arith.addf %get3A_286, %broadcast_in_dim3A_32 : vector<16xf32>
        %sub3A_321 = arith.subf %add3A_320, %sub3A_299 : vector<16xf32>
        %add3A_322 = arith.addf %get3A_286, %broadcast_in_dim3A_34 : vector<16xf32>
        %sub3A_323 = arith.subf %add3A_322, %sub3A_299 : vector<16xf32>
        %add3A_324 = arith.addf %get3A_286, %broadcast_in_dim3A_36 : vector<16xf32>
        %sub3A_325 = arith.subf %add3A_324, %sub3A_299 : vector<16xf32>
        %add3A_326 = arith.addf %get3A_283, %sub3A_298 : vector<16xf32>
        %add3A_327 = arith.addf %add3A_326, %broadcast_in_dim3A_32 : vector<16xf32>
        %max3A_328 = arith.maximumf %add3A_327, %sub3A_323 : vector<16xf32>
        %min3A_329 = arith.minimumf %max3A_328, %sub3A_325 : vector<16xf32>
        %sub3A_330 = arith.subf %min3A_329, %broadcast_in_dim3A_32 : vector<16xf32>
        %sub3A_331 = arith.subf %add3A_326, %sub3A_330 : vector<16xf32>
        %sub3A_332 = arith.subf %min3A_329, %sub3A_321 : vector<16xf32>
        %add3A_333 = arith.constant 2048 : i32
        %add3A_334 = arith.addi %add3A_333, %scan3A_309 : i32
        %broadcast_in_dim3A_335 = vector.broadcast %add3A_334 : i32 to vector<16xi32>
        %lt3A_336 = arith.cmpi slt, %broadcast_in_dim3A_335, %get3A_31 : vector<16xi32>
        %select_n3A_337 = arith.select %lt3A_336, %sub3A_330, %broadcast_in_dim3A_38 : vector<16xi1>, vector<16xf32>
        %swap3A_338 = arith.index_cast %scan3A_309 : i32 to index
        %swap3A_339 = arith.constant 0 : index
        %swap3A_340 = tpu.vector_load %arg12[%swap3A_338, %swap3A_339] {strides = array<i32>} : memref<1024x16xf32, #tpu.memory_space<vmem>>, vector<16xf32>,
        tpu.vector_store %arg12[%swap3A_338, %swap3A_339], %select_n3A_337 {strides = array<i32>} : memref<1024x16xf32, #tpu.memory_space<vmem>>, vector<16xf32>,
        scf.yield %sub3A_331, %sub3A_332, %get3A_316, %get3A_319 : vector<16xf32>, vector<16xf32>, vector<16xf32>, vector<16xf32>
      }
      %scan3A_156 = arith.constant 1024 : i32
      %dma_start3A_157 = arith.constant 2048 : i32
      %dma_start3A_158 = arith.constant 0 : i32
      %dma_start3A_159 = tpu.memref_slice %arg7[%dma_start3A_157, %dma_start3A_158] : memref<4096x16xf32, #tpu.memory_space<hbm>> -> memref<1024x16xf32, #tpu.memory_space<hbm>>
      %dma_start3A_160 = arith.constant 2048 : i32
      %dma_start3A_161 = arith.constant 0 : i32
      %dma_start3A_162 = tpu.memref_slice %arg7[%dma_start3A_160, %dma_start3A_161] : memref<4096x16xf32, #tpu.memory_space<hbm>> -> memref<1024x16xf32, #tpu.memory_space<hbm>>
      tpu.enqueue_dma source(%arg12 : memref<1024x16xf32, #tpu.memory_space<vmem>>) target(%dma_start3A_162 : memref<1024x16xf32, #tpu.memory_space<hbm>>) target_semaphore(%arg21 : memref<!tpu.dma_semaphore, #tpu.memory_space<semaphore_mem>>)
      %dma_wait3A_163 = arith.constant 3072 : i32
      %dma_wait3A_164 = arith.constant 0 : i32
      %dma_wait3A_165 = tpu.memref_slice %arg2[%dma_wait3A_163, %dma_wait3A_164] : memref<4096x16xf32, #tpu.memory_space<hbm>> -> memref<1024x16xf32, #tpu.memory_space<hbm>>
      %dma_wait3A_166 = arith.constant 3072 : i32
      %dma_wait3A_167 = arith.constant 0 : i32
      %dma_wait3A_168 = tpu.memref_slice %arg2[%dma_wait3A_166, %dma_wait3A_167] : memref<4096x16xf32, #tpu.memory_space<hbm>> -> memref<1024x16xf32, #tpu.memory_space<hbm>>
      tpu.wait_dma2 semaphore(%arg18 : memref<!tpu.dma_semaphore, #tpu.memory_space<semaphore_mem>>) src(%dma_wait3A_168 : memref<1024x16xf32, #tpu.memory_space<hbm>>) dst(%arg9 : memref<1024x16xf32, #tpu.memory_space<vmem>>)
      %dma_wait3A_169 = arith.constant 3072 : i32
      %dma_wait3A_170 = arith.constant 0 : i32
      %dma_wait3A_171 = tpu.memref_slice %arg3[%dma_wait3A_169, %dma_wait3A_170] : memref<4096x16xf32, #tpu.memory_space<hbm>> -> memref<1024x16xf32, #tpu.memory_space<hbm>>
      %dma_wait3A_172 = arith.constant 3072 : i32
      %dma_wait3A_173 = arith.constant 0 : i32
      %dma_wait3A_174 = tpu.memref_slice %arg3[%dma_wait3A_172, %dma_wait3A_173] : memref<4096x16xf32, #tpu.memory_space<hbm>> -> memref<1024x16xf32, #tpu.memory_space<hbm>>
      tpu.wait_dma2 semaphore(%arg20 : memref<!tpu.dma_semaphore, #tpu.memory_space<semaphore_mem>>) src(%dma_wait3A_174 : memref<1024x16xf32, #tpu.memory_space<hbm>>) dst(%arg11 : memref<1024x16xf32, #tpu.memory_space<vmem>>)
      %dma_wait3A_175 = arith.constant 1024 : i32
      %dma_wait3A_176 = arith.constant 0 : i32
      %dma_wait3A_177 = tpu.memref_slice %arg7[%dma_wait3A_175, %dma_wait3A_176] : memref<4096x16xf32, #tpu.memory_space<hbm>> -> memref<1024x16xf32, #tpu.memory_space<hbm>>
      %dma_wait3A_178 = arith.constant 1024 : i32
      %dma_wait3A_179 = arith.constant 0 : i32
      %dma_wait3A_180 = tpu.memref_slice %arg7[%dma_wait3A_178, %dma_wait3A_179] : memref<4096x16xf32, #tpu.memory_space<hbm>> -> memref<1024x16xf32, #tpu.memory_space<hbm>>
      tpu.wait_dma2 semaphore(%arg22 : memref<!tpu.dma_semaphore, #tpu.memory_space<semaphore_mem>>) src(%arg13 : memref<1024x16xf32, #tpu.memory_space<vmem>>) dst(%dma_wait3A_180 : memref<1024x16xf32, #tpu.memory_space<hbm>>)
      %get3A_181 = arith.constant 0 : i32
      %get3A_182 = arith.index_cast %get3A_181 : i32 to index
      %get3A_183 = arith.constant 0 : index
      %get3A_184 = tpu.vector_load %arg9[%get3A_182, %get3A_183] {strides = array<i32>} : memref<1024x16xf32, #tpu.memory_space<vmem>>, vector<16xf32>,
      %get3A_185 = arith.constant 0 : i32
      %get3A_186 = arith.index_cast %get3A_185 : i32 to index
      %get3A_187 = arith.constant 0 : index
      %get3A_188 = tpu.vector_load %arg11[%get3A_186, %get3A_187] {strides = array<i32>} : memref<1024x16xf32, #tpu.memory_space<vmem>>, vector<16xf32>,
      %scan3A_189 = arith.constant 0 : i32
      %scan3A_190 = arith.constant 1024 : i32
      %scan3A_191 = arith.addi %scan3A_189, %scan3A_190 : i32
      %scan3A_192 = arith.constant 4 : i32
      %scan3A_193:4 = scf.for %scan3A_213 = %scan3A_189 to %scan3A_191 step %scan3A_192 iter_args(%scan3A_214 = %scan3A_155#0, %scan3A_215 = %scan3A_155#1, %scan3A_216 = %get3A_184, %scan3A_217 = %get3A_188) -> (vector<16xf32>, vector<16xf32>, vector<16xf32>, vector<16xf32>)  : i32 {
        %add3A = arith.constant 1 : i32
        %add3A_218 = arith.addi %scan3A_213, %add3A : i32
        %min3A = arith.constant 1023 : i32
        %min3A_219 = arith.minsi %add3A_218, %min3A : i32
        %get3A_220 = arith.index_cast %min3A_219 : i32 to index
        %get3A_221 = arith.constant 0 : index
        %get3A_222 = tpu.vector_load %arg9[%get3A_220, %get3A_221] {strides = array<i32>} : memref<1024x16xf32, #tpu.memory_space<vmem>>, vector<16xf32>,
        %get3A_223 = arith.index_cast %min3A_219 : i32 to index
        %get3A_224 = arith.constant 0 : index
        %get3A_225 = tpu.vector_load %arg11[%get3A_223, %get3A_224] {strides = array<i32>} : memref<1024x16xf32, #tpu.memory_space<vmem>>, vector<16xf32>,
        %add3A_226 = arith.addf %scan3A_217, %broadcast_in_dim3A_32 : vector<16xf32>
        %sub3A = arith.subf %add3A_226, %scan3A_215 : vector<16xf32>
        %add3A_227 = arith.addf %scan3A_217, %broadcast_in_dim3A_34 : vector<16xf32>
        %sub3A_228 = arith.subf %add3A_227, %scan3A_215 : vector<16xf32>
        %add3A_229 = arith.addf %scan3A_217, %broadcast_in_dim3A_36 : vector<16xf32>
        %sub3A_230 = arith.subf %add3A_229, %scan3A_215 : vector<16xf32>
        %add3A_231 = arith.addf %scan3A_216, %scan3A_214 : vector<16xf32>
        %add3A_232 = arith.addf %add3A_231, %broadcast_in_dim3A_32 : vector<16xf32>
        %max3A = arith.maximumf %add3A_232, %sub3A_228 : vector<16xf32>
        %min3A_233 = arith.minimumf %max3A, %sub3A_230 : vector<16xf32>
        %sub3A_234 = arith.subf %min3A_233, %broadcast_in_dim3A_32 : vector<16xf32>
        %sub3A_235 = arith.subf %add3A_231, %sub3A_234 : vector<16xf32>
        %sub3A_236 = arith.subf %min3A_233, %sub3A : vector<16xf32>
        %add3A_237 = arith.constant 3072 : i32
        %add3A_238 = arith.addi %add3A_237, %scan3A_213 : i32
        %broadcast_in_dim3A_239 = vector.broadcast %add3A_238 : i32 to vector<16xi32>
        %lt3A = arith.cmpi slt, %broadcast_in_dim3A_239, %get3A_31 : vector<16xi32>
        %select_n3A = arith.select %lt3A, %sub3A_234, %broadcast_in_dim3A_38 : vector<16xi1>, vector<16xf32>
        %swap3A = arith.index_cast %scan3A_213 : i32 to index
        %swap3A_240 = arith.constant 0 : index
        %swap3A_241 = tpu.vector_load %arg13[%swap3A, %swap3A_240] {strides = array<i32>} : memref<1024x16xf32, #tpu.memory_space<vmem>>, vector<16xf32>,
        tpu.vector_store %arg13[%swap3A, %swap3A_240], %select_n3A {strides = array<i32>} : memref<1024x16xf32, #tpu.memory_space<vmem>>, vector<16xf32>,
        %scan3A_242 = arith.constant 1 : i32
        %scan3A_243 = arith.addi %scan3A_213, %scan3A_242 : i32
        %add3A_244 = arith.constant 1 : i32
        %add3A_245 = arith.addi %scan3A_243, %add3A_244 : i32
        %min3A_246 = arith.constant 1023 : i32
        %min3A_247 = arith.minsi %add3A_245, %min3A_246 : i32
        %get3A_248 = arith.index_cast %min3A_247 : i32 to index
        %get3A_249 = arith.constant 0 : index
        %get3A_250 = tpu.vector_load %arg9[%get3A_248, %get3A_249] {strides = array<i32>} : memref<1024x16xf32, #tpu.memory_space<vmem>>, vector<16xf32>,
        %get3A_251 = arith.index_cast %min3A_247 : i32 to index
        %get3A_252 = arith.constant 0 : index
        %get3A_253 = tpu.vector_load %arg11[%get3A_251, %get3A_252] {strides = array<i32>} : memref<1024x16xf32, #tpu.memory_space<vmem>>, vector<16xf32>,
        %add3A_254 = arith.addf %get3A_225, %broadcast_in_dim3A_32 : vector<16xf32>
        %sub3A_255 = arith.subf %add3A_254, %sub3A_236 : vector<16xf32>
        %add3A_256 = arith.addf %get3A_225, %broadcast_in_dim3A_34 : vector<16xf32>
        %sub3A_257 = arith.subf %add3A_256, %sub3A_236 : vector<16xf32>
        %add3A_258 = arith.addf %get3A_225, %broadcast_in_dim3A_36 : vector<16xf32>
        %sub3A_259 = arith.subf %add3A_258, %sub3A_236 : vector<16xf32>
        %add3A_260 = arith.addf %get3A_222, %sub3A_235 : vector<16xf32>
        %add3A_261 = arith.addf %add3A_260, %broadcast_in_dim3A_32 : vector<16xf32>
        %max3A_262 = arith.maximumf %add3A_261, %sub3A_257 : vector<16xf32>
        %min3A_263 = arith.minimumf %max3A_262, %sub3A_259 : vector<16xf32>
        %sub3A_264 = arith.subf %min3A_263, %broadcast_in_dim3A_32 : vector<16xf32>
        %sub3A_265 = arith.subf %add3A_260, %sub3A_264 : vector<16xf32>
        %sub3A_266 = arith.subf %min3A_263, %sub3A_255 : vector<16xf32>
        %add3A_267 = arith.constant 3072 : i32
        %add3A_268 = arith.addi %add3A_267, %scan3A_243 : i32
        %broadcast_in_dim3A_269 = vector.broadcast %add3A_268 : i32 to vector<16xi32>
        %lt3A_270 = arith.cmpi slt, %broadcast_in_dim3A_269, %get3A_31 : vector<16xi32>
        %select_n3A_271 = arith.select %lt3A_270, %sub3A_264, %broadcast_in_dim3A_38 : vector<16xi1>, vector<16xf32>
        %swap3A_272 = arith.index_cast %scan3A_243 : i32 to index
        %swap3A_273 = arith.constant 0 : index
        %swap3A_274 = tpu.vector_load %arg13[%swap3A_272, %swap3A_273] {strides = array<i32>} : memref<1024x16xf32, #tpu.memory_space<vmem>>, vector<16xf32>,
        tpu.vector_store %arg13[%swap3A_272, %swap3A_273], %select_n3A_271 {strides = array<i32>} : memref<1024x16xf32, #tpu.memory_space<vmem>>, vector<16xf32>,
        %scan3A_275 = arith.constant 2 : i32
        %scan3A_276 = arith.addi %scan3A_213, %scan3A_275 : i32
        %add3A_277 = arith.constant 1 : i32
        %add3A_278 = arith.addi %scan3A_276, %add3A_277 : i32
        %min3A_279 = arith.constant 1023 : i32
        %min3A_280 = arith.minsi %add3A_278, %min3A_279 : i32
        %get3A_281 = arith.index_cast %min3A_280 : i32 to index
        %get3A_282 = arith.constant 0 : index
        %get3A_283 = tpu.vector_load %arg9[%get3A_281, %get3A_282] {strides = array<i32>} : memref<1024x16xf32, #tpu.memory_space<vmem>>, vector<16xf32>,
        %get3A_284 = arith.index_cast %min3A_280 : i32 to index
        %get3A_285 = arith.constant 0 : index
        %get3A_286 = tpu.vector_load %arg11[%get3A_284, %get3A_285] {strides = array<i32>} : memref<1024x16xf32, #tpu.memory_space<vmem>>, vector<16xf32>,
        %add3A_287 = arith.addf %get3A_253, %broadcast_in_dim3A_32 : vector<16xf32>
        %sub3A_288 = arith.subf %add3A_287, %sub3A_266 : vector<16xf32>
        %add3A_289 = arith.addf %get3A_253, %broadcast_in_dim3A_34 : vector<16xf32>
        %sub3A_290 = arith.subf %add3A_289, %sub3A_266 : vector<16xf32>
        %add3A_291 = arith.addf %get3A_253, %broadcast_in_dim3A_36 : vector<16xf32>
        %sub3A_292 = arith.subf %add3A_291, %sub3A_266 : vector<16xf32>
        %add3A_293 = arith.addf %get3A_250, %sub3A_265 : vector<16xf32>
        %add3A_294 = arith.addf %add3A_293, %broadcast_in_dim3A_32 : vector<16xf32>
        %max3A_295 = arith.maximumf %add3A_294, %sub3A_290 : vector<16xf32>
        %min3A_296 = arith.minimumf %max3A_295, %sub3A_292 : vector<16xf32>
        %sub3A_297 = arith.subf %min3A_296, %broadcast_in_dim3A_32 : vector<16xf32>
        %sub3A_298 = arith.subf %add3A_293, %sub3A_297 : vector<16xf32>
        %sub3A_299 = arith.subf %min3A_296, %sub3A_288 : vector<16xf32>
        %add3A_300 = arith.constant 3072 : i32
        %add3A_301 = arith.addi %add3A_300, %scan3A_276 : i32
        %broadcast_in_dim3A_302 = vector.broadcast %add3A_301 : i32 to vector<16xi32>
        %lt3A_303 = arith.cmpi slt, %broadcast_in_dim3A_302, %get3A_31 : vector<16xi32>
        %select_n3A_304 = arith.select %lt3A_303, %sub3A_297, %broadcast_in_dim3A_38 : vector<16xi1>, vector<16xf32>
        %swap3A_305 = arith.index_cast %scan3A_276 : i32 to index
        %swap3A_306 = arith.constant 0 : index
        %swap3A_307 = tpu.vector_load %arg13[%swap3A_305, %swap3A_306] {strides = array<i32>} : memref<1024x16xf32, #tpu.memory_space<vmem>>, vector<16xf32>,
        tpu.vector_store %arg13[%swap3A_305, %swap3A_306], %select_n3A_304 {strides = array<i32>} : memref<1024x16xf32, #tpu.memory_space<vmem>>, vector<16xf32>,
        %scan3A_308 = arith.constant 3 : i32
        %scan3A_309 = arith.addi %scan3A_213, %scan3A_308 : i32
        %add3A_310 = arith.constant 1 : i32
        %add3A_311 = arith.addi %scan3A_309, %add3A_310 : i32
        %min3A_312 = arith.constant 1023 : i32
        %min3A_313 = arith.minsi %add3A_311, %min3A_312 : i32
        %get3A_314 = arith.index_cast %min3A_313 : i32 to index
        %get3A_315 = arith.constant 0 : index
        %get3A_316 = tpu.vector_load %arg9[%get3A_314, %get3A_315] {strides = array<i32>} : memref<1024x16xf32, #tpu.memory_space<vmem>>, vector<16xf32>,
        %get3A_317 = arith.index_cast %min3A_313 : i32 to index
        %get3A_318 = arith.constant 0 : index
        %get3A_319 = tpu.vector_load %arg11[%get3A_317, %get3A_318] {strides = array<i32>} : memref<1024x16xf32, #tpu.memory_space<vmem>>, vector<16xf32>,
        %add3A_320 = arith.addf %get3A_286, %broadcast_in_dim3A_32 : vector<16xf32>
        %sub3A_321 = arith.subf %add3A_320, %sub3A_299 : vector<16xf32>
        %add3A_322 = arith.addf %get3A_286, %broadcast_in_dim3A_34 : vector<16xf32>
        %sub3A_323 = arith.subf %add3A_322, %sub3A_299 : vector<16xf32>
        %add3A_324 = arith.addf %get3A_286, %broadcast_in_dim3A_36 : vector<16xf32>
        %sub3A_325 = arith.subf %add3A_324, %sub3A_299 : vector<16xf32>
        %add3A_326 = arith.addf %get3A_283, %sub3A_298 : vector<16xf32>
        %add3A_327 = arith.addf %add3A_326, %broadcast_in_dim3A_32 : vector<16xf32>
        %max3A_328 = arith.maximumf %add3A_327, %sub3A_323 : vector<16xf32>
        %min3A_329 = arith.minimumf %max3A_328, %sub3A_325 : vector<16xf32>
        %sub3A_330 = arith.subf %min3A_329, %broadcast_in_dim3A_32 : vector<16xf32>
        %sub3A_331 = arith.subf %add3A_326, %sub3A_330 : vector<16xf32>
        %sub3A_332 = arith.subf %min3A_329, %sub3A_321 : vector<16xf32>
        %add3A_333 = arith.constant 3072 : i32
        %add3A_334 = arith.addi %add3A_333, %scan3A_309 : i32
        %broadcast_in_dim3A_335 = vector.broadcast %add3A_334 : i32 to vector<16xi32>
        %lt3A_336 = arith.cmpi slt, %broadcast_in_dim3A_335, %get3A_31 : vector<16xi32>
        %select_n3A_337 = arith.select %lt3A_336, %sub3A_330, %broadcast_in_dim3A_38 : vector<16xi1>, vector<16xf32>
        %swap3A_338 = arith.index_cast %scan3A_309 : i32 to index
        %swap3A_339 = arith.constant 0 : index
        %swap3A_340 = tpu.vector_load %arg13[%swap3A_338, %swap3A_339] {strides = array<i32>} : memref<1024x16xf32, #tpu.memory_space<vmem>>, vector<16xf32>,
        tpu.vector_store %arg13[%swap3A_338, %swap3A_339], %select_n3A_337 {strides = array<i32>} : memref<1024x16xf32, #tpu.memory_space<vmem>>, vector<16xf32>,
        scf.yield %sub3A_331, %sub3A_332, %get3A_316, %get3A_319 : vector<16xf32>, vector<16xf32>, vector<16xf32>, vector<16xf32>
      }
      %scan3A_194 = arith.constant 1024 : i32
      %dma_start3A_195 = arith.constant 3072 : i32
      %dma_start3A_196 = arith.constant 0 : i32
      %dma_start3A_197 = tpu.memref_slice %arg7[%dma_start3A_195, %dma_start3A_196] : memref<4096x16xf32, #tpu.memory_space<hbm>> -> memref<1024x16xf32, #tpu.memory_space<hbm>>
      %dma_start3A_198 = arith.constant 3072 : i32
      %dma_start3A_199 = arith.constant 0 : i32
      %dma_start3A_200 = tpu.memref_slice %arg7[%dma_start3A_198, %dma_start3A_199] : memref<4096x16xf32, #tpu.memory_space<hbm>> -> memref<1024x16xf32, #tpu.memory_space<hbm>>
      tpu.enqueue_dma source(%arg13 : memref<1024x16xf32, #tpu.memory_space<vmem>>) target(%dma_start3A_200 : memref<1024x16xf32, #tpu.memory_space<hbm>>) target_semaphore(%arg22 : memref<!tpu.dma_semaphore, #tpu.memory_space<semaphore_mem>>)
      %dma_wait3A_201 = arith.constant 2048 : i32
      %dma_wait3A_202 = arith.constant 0 : i32
      %dma_wait3A_203 = tpu.memref_slice %arg7[%dma_wait3A_201, %dma_wait3A_202] : memref<4096x16xf32, #tpu.memory_space<hbm>> -> memref<1024x16xf32, #tpu.memory_space<hbm>>
      %dma_wait3A_204 = arith.constant 2048 : i32
      %dma_wait3A_205 = arith.constant 0 : i32
      %dma_wait3A_206 = tpu.memref_slice %arg7[%dma_wait3A_204, %dma_wait3A_205] : memref<4096x16xf32, #tpu.memory_space<hbm>> -> memref<1024x16xf32, #tpu.memory_space<hbm>>
      tpu.wait_dma2 semaphore(%arg21 : memref<!tpu.dma_semaphore, #tpu.memory_space<semaphore_mem>>) src(%arg12 : memref<1024x16xf32, #tpu.memory_space<vmem>>) dst(%dma_wait3A_206 : memref<1024x16xf32, #tpu.memory_space<hbm>>)
      %dma_wait3A_207 = arith.constant 3072 : i32
      %dma_wait3A_208 = arith.constant 0 : i32
      %dma_wait3A_209 = tpu.memref_slice %arg7[%dma_wait3A_207, %dma_wait3A_208] : memref<4096x16xf32, #tpu.memory_space<hbm>> -> memref<1024x16xf32, #tpu.memory_space<hbm>>
      %dma_wait3A_210 = arith.constant 3072 : i32
      %dma_wait3A_211 = arith.constant 0 : i32
      %dma_wait3A_212 = tpu.memref_slice %arg7[%dma_wait3A_210, %dma_wait3A_211] : memref<4096x16xf32, #tpu.memory_space<hbm>> -> memref<1024x16xf32, #tpu.memory_space<hbm>>
      tpu.wait_dma2 semaphore(%arg22 : memref<!tpu.dma_semaphore, #tpu.memory_space<semaphore_mem>>) src(%arg13 : memref<1024x16xf32, #tpu.memory_space<vmem>>) dst(%dma_wait3A_212 : memref<1024x16xf32, #tpu.memory_space<hbm>>)
    } else {
    }
    return
  }
}

</mosaic_0001>

<sc_bundles>
// kernel: kernel.3.cloned.1.call-start
scs
__scs_entry_jumppad:
0x0: {  	(pc) =	sbr.rel $0x88, $3  }
0x1: {  	(tag) =	ssettag $0x0;
	lr =	simm.s32 $0x1  }
0x2: {  	[smem:$0x3F9C] =	sst lr;
	_ =	strace $0xD0000000  }
0x3: {  	_ = 	snop  }
0x4: {  	_ = 	snop  }
0x5: {  	_ = 	snop  }
0x6: {  	_ = 	snop  }
0x7: {  	_ = 	snop  }
__scs_overlays_trampoline_lowered:
0x8: {  	[smem:$0x3FAB] =	sst s0  }
0x9: {  	[smem:$0x3FAC] =	sst s1  }
0xa: {  	[smem:$0x3FAD] =	sst s2  }
0xb: {  	[smem:$0x3FAE] =	sst s3  }
0xc: {  	[smem:$0x3FAF] =	sst s4  }
0xd: {  	[smem:$0x3FB0] =	sst s5  }
0xe: {  	[smem:$0x3FB1] =	sst s6  }
0xf: {  	[smem:$0x3FB2] =	sst s7  }
0x10: {  	[smem:$0x3FB3] =	sst s8  }
0x11: {  	[smem:$0x3FB4] =	sst s9;
	s0 =	simm.s32 @!p0 $0x0  }
0x12: {  	s1 =	sld [smem:$0x3F9A];
	s0 =	simm.s32 @p0 $0x1  }
0x13: {  	[smem:$0x3FB5] =	sst s0;
	s0 =	simm.s32 @!p1 $0x0  }
0x14: {  	s2 =	sld [smem:$0x3F99];
	s0 =	simm.s32 @p1 $0x1  }
0x15: {  	[smem:$0x3FB6] =	sst s0;
	s0 =	simm.s32 @!p2 $0x0  }
0x16: {  	s3 =	sld [smem:$0x3FDB];
	s0 =	simm.s32 @p2 $0x1  }
0x17: {  	s4 =	simm.s32 $0x1BF5;
	[smem:$0x3FB8] =	sst s0  }
0x18: {  	s0 =	sld [smem:$0x3F9B];
	_ =	swait.ge [sflag:s4], $0x0  }
0x19: {  	s7 =	sld [smem:$0x3F9C]  }
0x1a: {  	s8 =	sadd.s32 $0xFFFFE003, lr  }
0x1b: {  	s9 =	sadd.s32 $0xFFFFFEF7, lr;
	s5 =	simm.s32 $0xFFFFFFFF;
	p2 =	slt.u32 s8, $0xFFFFF086  }
0x1c: {  	p1 =	slt.u32 s9, $0xF7A;
	s5 =	simm.s32 @!p2 $0x0  }
0x1d: {  	s5 =	simm.s32 @p1 $0x1;
	p0 =	seq.s32 s7, s2  }
0x1e: {  	s7 =	smul.u32 @!p0 $0xF7A, s2;
	p2 =	seq.s32 @!p0 s5, $0x0  }
0x1f: {  	s9 =	smul.u32 $0xF7A, s1;
	s8 =	simm.s32 @!p0 $0x1BF5;
	p2 =	por !p2, p0  }
0x20: {  	[sflag:s8] =	ssyncset.s32 @!p0 $0xFFFFF086;
	s6 =	sadd.s32 @!p0 s3, s7;
	s7 =	simm.s32 @!p0 $0x108  }
0x21: {  	s3 =	sadd.s32 s3, s9;
	s6 =	sadd.s32 @!p0 $0x88, s6;
	s7 =	simm.s32 @p2 $0x1082  }
0x22: {  	[simem:s7], [sflag:s8] =	dma.local @!p0 [hbm:s6], $0xF7A  }
0x23: {  	s9 =	sor.u32 $0xD0000000, s2;
	s6 =	simm.s32 $0x108;
	_ =	swait.ge @!p0 [sflag:s8], $0x0  }
0x24: {  	s3 =	sadd.s32 $0x88, s3;
	s6 =	simm.s32 @!p1 $0x1082;
	[sflag:s4] =	ssyncset.s32 $0xFFFFF086  }
0x25: {  	[simem:s6], [sflag:s4] =	dma.local [hbm:s3], $0xF7A  }
0x26: {  	[smem:$0x3F9C] =	sst s1;
	(tag) =	ssettag s2;
	_ =	strace s9  }
0x27: {  	s1 =	sld [smem:$0x3FAC]  }
0x28: {  	s2 =	sld [smem:$0x3FAD]  }
0x29: {  	s4 =	sld [smem:$0x3FAF]  }
0x2a: {  	p0 =	seq.s32 s5, $0x0;
	s5 =	sld [smem:$0x3FB0]  }
0x2b: {  	s6 =	sld [smem:$0x3FB1]  }
0x2c: {  	s7 =	sld [smem:$0x3FB2]  }
0x2d: {  	s3 =	simm.s32 $0x108;
	s8 =	sld [smem:$0x3FB3]  }
0x2e: {  	s3 =	simm.s32 @!p0 $0x1082;
	s9 =	sld [smem:$0x3FB4]  }
0x2f: {  	lr =	sadd.s32 s0, s3;
	s0 =	sld [smem:$0x3FAB]  }
0x30: {  	s3 =	sld [smem:$0x3FAE]  }
0x31: {  	[smem:$0x3FB7] =	sst s10  }
0x32: {  	s10 =	sld [smem:$0x3FB5];
	_ =	sdelay $0x3  }
0x33: {  	p0 =	seq.s32 s10, $0x1;
	s10 =	sld [smem:$0x3FB7];
	_ =	sdelay $0x3  }
0x34: {  	[smem:$0x3FB7] =	sst s10  }
0x35: {  	s10 =	sld [smem:$0x3FB6];
	_ =	sdelay $0x3  }
0x36: {  	p1 =	seq.s32 s10, $0x1;
	s10 =	sld [smem:$0x3FB7];
	_ =	sdelay $0x3  }
0x37: {  	[smem:$0x3FB7] =	sst s10  }
0x38: {  	s10 =	sld [smem:$0x3FB8]  }
0x39: {  	_ = 	snop;
	(pc) =	sbr.ind lr, $3  }
0x3a: {  	_ = 	snop  }
0x3b: {  	_ = 	snop  }
0x3c: {  	p2 =	seq.s32 s10, $0x1;
	s10 =	sld [smem:$0x3FB7]  }
0x3d: {  	_ =	shalt  }
0x3e: {  	_ =	shalt  }
0x3f: {  	_ =	shalt  }
0x40: {  	_ =	shalt  }
0x41: {  	_ =	shalt  }
0x42: {  	_ =	shalt  }
0x43: {  	_ =	shalt  }
0x44: {  	_ =	shalt  }
0x45: {  	_ =	shalt  }
0x46: {  	_ =	shalt  }
0x47: {  	_ =	shalt  }
0x48: {  	_ =	shalt  }
0x49: {  	_ =	shalt  }
0x4a: {  	_ =	shalt  }
0x4b: {  	_ =	shalt  }
0x4c: {  	_ =	shalt  }
0x4d: {  	_ =	shalt  }
0x4e: {  	_ =	shalt  }
0x4f: {  	_ =	shalt  }
0x50: {  	_ =	shalt  }
0x51: {  	_ =	shalt  }
0x52: {  	_ =	shalt  }
0x53: {  	_ =	shalt  }
0x54: {  	_ =	shalt  }
0x55: {  	_ =	shalt  }
0x56: {  	_ =	shalt  }
0x57: {  	_ =	shalt  }
0x58: {  	_ =	shalt  }
0x59: {  	_ =	shalt  }
0x5a: {  	_ =	shalt  }
0x5b: {  	_ =	shalt  }
0x5c: {  	_ =	shalt  }
0x5d: {  	_ =	shalt  }
0x5e: {  	_ =	shalt  }
0x5f: {  	_ =	shalt  }
0x60: {  	_ =	shalt  }
0x61: {  	_ =	shalt  }
0x62: {  	_ =	shalt  }
0x63: {  	_ =	shalt  }
0x64: {  	_ =	shalt  }
0x65: {  	_ =	shalt  }
0x66: {  	_ =	shalt  }
0x67: {  	_ =	shalt  }
0x68: {  	_ =	shalt  }
0x69: {  	_ =	shalt  }
0x6a: {  	_ =	shalt  }
0x6b: {  	_ =	shalt  }
0x6c: {  	_ =	shalt  }
0x6d: {  	_ =	shalt  }
0x6e: {  	_ =	shalt  }
0x6f: {  	_ =	shalt  }
0x70: {  	_ =	shalt  }
0x71: {  	_ =	shalt  }
0x72: {  	_ =	shalt  }
0x73: {  	_ =	shalt  }
0x74: {  	_ =	shalt  }
0x75: {  	_ =	shalt  }
0x76: {  	_ =	shalt  }
0x77: {  	_ =	shalt  }
0x78: {  	_ =	shalt  }
0x79: {  	_ =	shalt  }
0x7a: {  	_ =	shalt  }
0x7b: {  	_ =	shalt  }
0x7c: {  	_ =	shalt  }
0x7d: {  	_ =	shalt  }
0x7e: {  	_ =	shalt  }
0x7f: {  	_ =	shalt  }
0x80: {  	_ =	shalt  }
0x81: {  	_ =	shalt  }
0x82: {  	_ =	shalt  }
0x83: {  	_ =	shalt  }
0x84: {  	_ =	shalt  }
0x85: {  	_ =	shalt  }
0x86: {  	_ =	shalt  }
0x87: {  	_ =	shalt  }
.Lfunc_end0:
.L_simem_size_0:
called_computation_lowered:
.L_overlay_start_0:
0x88: {  	s0 =	sld [smem:$0x3FD9]  }
0x89: {  	s1 =	sld [smem:$0x3FFE];
	_ =	sdelay $0x3  }
0x8a: {  	s0 =	sadd.s32 s1, s0  }
0x8b: {  	[smem:$0x3FC3] =	sst s0  }
0x8c: {  	_ = 	snop  }
0x8d: {  	s0 =	sld [smem:$0x3FC7]  }
0x8e: {  	s16 =	sld [smem:$0x3FC6]  }
0x8f: {  	s2 =	sld [smem:$0x3FC5]  }
0x90: {  	s3 =	sld [smem:$0x3FD0];
	(tm) =	ssettm $0x1  }
0x91: {  	s4 =	sld [smem:$0x3FFB];
	_ =	sdelay $0x3  }
0x92: {  	_ =	strace s4  }
0x93: {  	s4 =	sld [smem:$0x3FFC];
	_ =	sdelay $0x3  }
0x94: {  	_ =	strace s4  }
0x95: {  	s4 =	sld [smem:$0x3FFD];
	_ =	sdelay $0x3  }
0x96: {  	_ =	strace s4  }
0x97: {  	_ =	strace $0x8FFFFFFF  }
0x98: {  	s17 =	sld [smem:$0x3FDB];
	_ =	sdelay $0x1  }
0x99: {  	s5 =	simm.s32 $_scs_section_size  }
0x9a: {  	s6 =	simm.s32 $_size__tile_overlayer_lowered;
	s7 =	simm.s32 $_tile_overlayer_lowered  }
0x9b: {  	s20 =	simm.s32 $0x1BFF;
	s19 =	sshll.u32 s7, $0x1;
	s4 =	sadd.s32 s5, s17  }
0x9c: {  	s8 =	simm.s32 $0x0;
	s18 =	sshll.u32 s6, $0x1;
	s6 =	sadd.s32 s19, s4  }
0x9d: {  	[timem:s8], [sflag:s20] =	dma.local [hbm:s6], s18  }
0x9e: {  	_ =	swait.ge [sflag:s20], s18  }
0x9f: {  	s5 =	ssub.s32 $0x0, s18;
	[sflag:s20] =	ssyncset.done $0x0  }
0xa0: {  	[sflag:s20] =	ssyncadd.s32 s5;
	_ =	sdelay $0x1  }
0xa1: {  	s21 =	simm.s32 $0x1B8B  }
0xa2: {  	_ =	swait.ge [sflag:s21], $0x1  }
0xa3: {  	[sflag:s21] =	ssyncset.done $0x0  }
0xa4: {  	s23 =	simm.s32 $0x1B8E;
	s22 =	sld [smem:$0x3FFE];
	[sflag:s21] =	ssyncadd.s32 $0xFFFFFFFF  }
0xa5: {  	s24 =	simm.s32 $execute0_lowered;
	[smem:$0x3FD2] =	sst s23  }
0xa6: {  	s6 =	sshll.u32 s24, $0x1;
	_ =	strace $0x80000046;
	[dreg:$0x1] =	wrdreg $0xFFFFFFFF  }
0xa7: {  	s25 =	simm.s32 $_size_execute0_lowered;
	s4 =	sadd.s32 s4, s6;
	[dreg:$0x0] =	wrdreg $0x0  }
0xa8: {  	s6 =	sshll.u32 s25, $0x1;
	[dreg:$0x2] =	wrdreg s4  }
0xa9: {  	[dreg:$0x3] =	wrdreg s6  }
0xaa: {  	[dreg:$0x4] =	wrdreg $0xC0  }
0xab: {  	_ =	task [dreg:s8], $0x5FFFF  }
0xac: {  	[dreg:$0x1] =	wrdreg $0xFFFFFFFF  }
0xad: {  	[dreg:$0x0] =	wrdreg $0x60  }
0xae: {  	[dreg:$0x2] =	wrdreg s3  }
0xaf: {  	[dreg:$0x3] =	wrdreg s22  }
0xb0: {  	[dreg:$0x4] =	wrdreg s0  }
0xb1: {  	[dreg:$0x5] =	wrdreg s16  }
0xb2: {  	[dreg:$0x6] =	wrdreg s2  }
0xb3: {  	[dreg:$0x7] =	wrdreg $0x9  }
0xb4: {  	_ =	task.clear_ibuf [dreg:s8], $0x8FFFF;
	_ =	strace $0x90000046  }
0xb5: {  	s26 =	simm.s32 $0x9;
	_ =	strace $0x80000048  }
0xb6: {  	_ =	swait.ge [sflag:s26], $0x1  }
0xb7: {  	[sflag:s26] =	ssyncadd.s32 $0xFFFFFFFF  }
0xb8: {  	_ =	strace $0x90000048  }
0xb9: {  	_ =	sfence  }
0xba: {  	s28 =	sld [smem:$0x0];
	_ =	sdelay $0x1  }
0xbb: {  	s29 =	srdreg.scid  }
0xbc: {  	s30 =	sshll.u32 s29, $0xD;
	s31 =	sshrl.u32 s29, $0x2  }
0xbd: {  	s1 =	sand.u32 $0x1, s29;
	s2 =	sand.u32 $0x4000, s30;
	s0 =	sadd.s32 s31, s28  }
0xbe: {  	s1 =	sor.u32 s2, s1;
	s0 =	sshll.u32 s0, $0x11  }
0xbf: {  	s0 =	sor.u32 s0, s1  }
0xc0: {  	s0 =	sadd.s32 $0x8F2B, s0  }
0xc1: {  	[sflag:s0] =	ssyncadd.remote.s32 $0x1  }
0xc2: {  	_ =	sfence.sel $0xFFFF  }
0xc3: {  	[dreg:$0x0] =	wrdreg $0xFFFFFFFF;
	(pc) =	sbr.abs _section_cstart, $3  }
0xc4: {  	[dreg:$0x1] =	wrdreg $0xFFFFFFFF  }
0xc5: {  	_ =	task.clear_ibuf [dreg:s8], $0x2FFFF;
	_ =	strace $0x9FFFFFFF  }
0xc6: {  	(tm) =	ssettm $0x7FFFFFFF  }
0xc7: {  	_ =	shalt  }
tec
execute0_lowered:
.L_overlay_start_1:
0x0: {  	(tag) =	ssettag $0x1  }
0x1: {  	s1 =	rddreg [dreg:$0x0];
	s2 =	stileid.u32  }
0x2: {  	s3 =	rddreg [dreg:$0x1];
	p0 =	sne.s32 s2, $0x0  }
.Ltmp0:
0x3: {  	s7 =	rddreg [dreg:$0x2];
	(pc) =	sbr.rel @p0 .LBB2_10-.Ltmp0, $4  }
0x4: {  	s5 =	rddreg [dreg:$0x3]  }
0x5: {  	s4 =	rddreg [dreg:$0x4];
	s8 =	simm.s32 $0x0  }
0x6: {  	[smem:$0x7FF] =	sst s8  }
0x7: {  	s0 =	rddreg [dreg:$0x5];
	_ =	strace $0x80000047  }
0x8: {  	[tilespmem:s8], [sflag:$0x1] =	stream.linear.gather [hbm4b:s1+s8], $0x4000, $0x38;
	[tilespmem:$0x18030] =	vst v63  }
0x9: {  	s2 =	sadd.s32 $0x600, s3;
	s6 =	simm.s32 $0x8000  }
0xa: {  	[tilespmem:s6], [sflag:$0x3] =	stream.linear.gather [hbm4b:s2+s8], $0x4000, $0x38;
	[tilespmem:$0x18030] =	vst v63  }
0xb: {  	s9 =	sadd.s32 $0x800, s1;
	s10 =	simm.s32 $0x4000  }
0xc: {  	[tilespmem:s10], [sflag:$0x2] =	stream.linear.gather [hbm4b:s9+s8], $0x4000, $0x38;
	[tilespmem:$0x18030] =	vst v63  }
0xd: {  	s19 =	simm.s32 $0xC000;
	s18 =	sadd.s32 $0x800, s2  }
0xe: {  	[tilespmem:s19], [sflag:$0x4] =	stream.linear.gather [hbm4b:s18+s8], $0x4000, $0x38;
	[tilespmem:$0x18030] =	vst v63  }
0xf: {  	s20 =	simm.s32 $0x18000  }
0x10: {  	[tilespmem:s20], [sflag:$0x7] =	stream.linear.gather [hbm4b:s7+s8], $0x10, $0x38;
	[tilespmem:$0x18030] =	vst v63  }
0x11: {  	s21 =	simm.s32 $0x18010  }
0x12: {  	[tilespmem:s21], [sflag:$0x7] =	stream.linear.gather [hbm4b:s5+s8], $0x10, $0x38;
	[tilespmem:$0x18030] =	vst v63  }
0x13: {  	s22 =	simm.s32 $0x18020;
	s23 =	simm.s32 $0x7  }
0x14: {  	[tilespmem:s22], [sflag:$0x7] =	stream.linear.gather [hbm4b:s4+s8], $0x10, $0x38;
	[tilespmem:$0x18030] =	vst v63  }
0x15: {  	_ =	swait.ge [sflag:s23], $0x10  }
0x16: {  	[sflag:s23] =	ssyncset.done $0x0  }
0x17: {  	[sflag:s23] =	ssyncadd.s32 $0xFFFFFFF0  }
0x18: {  	_ =	swait.ge [sflag:s23], $0x10  }
0x19: {  	[sflag:s23] =	ssyncset.done $0x0  }
0x1a: {  	[sflag:s23] =	ssyncadd.s32 $0xFFFFFFF0  }
0x1b: {  	_ =	swait.ge [sflag:s23], $0x10  }
0x1c: {  	[sflag:s23] =	ssyncset.done $0x0  }
0x1d: {  	[sflag:s23] =	ssyncadd.s32 $0xFFFFFFF0  }
0x1e: {  	v1 =	vld [tilespmem:$0x18000]  }
0x1f: {  	s24 =	simm.s32 $0x1;
	v2 =	vld [tilespmem:$0x18010]  }
0x20: {  	v0 =	vld [tilespmem:$0x18020];
	_ =	swait.ge [sflag:s24], $0x4000  }
0x21: {  	[sflag:s24] =	ssyncset.done $0x0  }
0x22: {  	s25 =	simm.s32 $0x3;
	[sflag:s24] =	ssyncadd.s32 $0xFFFFC000  }
0x23: {  	_ =	swait.ge [sflag:s25], $0x4000  }
0x24: {  	[sflag:s25] =	ssyncset.done $0x0  }
0x25: {  	[sflag:s25] =	ssyncadd.s32 $0xFFFFC000  }
0x26: {  	v3 =	vld [tilespmem:$0x0]  }
0x27: {  	v4 =	vld [tilespmem:$0x8000];
	_ =	sdelay $0x4  }
0x28: {  	v5 =	vadd.f32 $1.258288800e+07, v4;
	v1 =	vadd.f32 v3, v1  }
0x29: {  	v3 =	vadd.f32 $1.258293600e+07, v4  }
0x2a: {  	v5 =	vsub.f32 v5, v2;
	v6 =	vadd.f32 $1.258291200e+07, v1  }
0x2b: {  	s7 =	simm.s32 $0x8020;
	v3 =	vsub.f32 v3, v2  }
0x2c: {  	s26 =	simm.s32 $0x20;
	v7 =	vld [tilespmem:s7+$0xFFFFFFF0];
	v5 =	vmax.f32 v6, v5  }
0x2d: {  	v6 =	vld [tilespmem:s26+$0xFFFFFFF0];
	v3 =	vmin.f32 v5, v3  }
0x2e: {  	v4 =	vadd.f32 $1.258291200e+07, v4;
	v5 =	vadd.f32 $-1.258291200e+07, v3;
	_ =	sdelay $0x1  }
0x2f: {  	v2 =	vsub.f32 v2, v4;
	v1 =	vsub.f32 v1, v5  }
0x30: {  	s28 =	simm.s32 $0x0;
	v4 =	vadd.f32 $1.258288800e+07, v7  }
0x31: {  	v2 =	vadd.f32 v3, v2;
	v3 =	vmov s28;
	v1 =	vadd.f32 v6, v1  }
0x32: {  	vm0 =	vlt.s32 v3, v0;
	v3 =	vadd.f32 $1.258293600e+07, v7  }
0x33: {  	s8 =	simm.s32 $0x10020;
	v5 =	vnsel vm0, $0x0, v5;
	v4 =	vsub.f32 v4, v2;
	v6 =	vadd.f32 $1.258291200e+07, v1  }
0x34: {  	[tilespmem:s8+$0xFFFFFFE0] =	vst v5;
	v3 =	vsub.f32 v3, v2  }
0x35: {  	v5 =	vld [tilespmem:s7+$0x0];
	v4 =	vmax.f32 v6, v4  }
0x36: {  	v6 =	vadd.f32 $1.258291200e+07, v7;
	v7 =	vld [tilespmem:s26+$0x0];
	v3 =	vmin.f32 v4, v3  }
0x37: {  	v4 =	vadd.f32 $-1.258291200e+07, v3;
	_ =	sdelay $0x1  }
0x38: {  	v2 =	vsub.f32 v2, v6;
	v1 =	vsub.f32 v1, v4  }
0x39: {  	s29 =	simm.s32 $0x1;
	v6 =	vadd.f32 $1.258288800e+07, v5  }
0x3a: {  	v2 =	vadd.f32 v3, v2;
	v3 =	vmov s29;
	v1 =	vadd.f32 v1, v7  }
0x3b: {  	vm13 =	vlt.s32 v3, v0;
	v3 =	vadd.f32 $1.258293600e+07, v5  }
0x3c: {  	v4 =	vnsel vm13, $0x0, v4;
	v6 =	vsub.f32 v6, v2;
	v7 =	vadd.f32 $1.258291200e+07, v1  }
0x3d: {  	[tilespmem:s8+$0xFFFFFFF0] =	vst v4;
	v3 =	vsub.f32 v3, v2  }
0x3e: {  	v4 =	vld [tilespmem:s7+$0x10];
	v6 =	vmax.f32 v7, v6  }
0x3f: {  	v5 =	vadd.f32 $1.258291200e+07, v5;
	v7 =	vld [tilespmem:s26+$0x10];
	v3 =	vmin.f32 v6, v3  }
0x40: {  	v6 =	vadd.f32 $-1.258291200e+07, v3  }
0x41: {  	v2 =	vsub.f32 v2, v5  }
0x42: {  	v1 =	vsub.f32 v1, v6  }
0x43: {  	v2 =	vadd.f32 v3, v2  }
0x44: {  	s30 =	simm.s32 $0x2;
	v3 =	vadd.f32 $1.258288800e+07, v4;
	v5 =	vadd.f32 v1, v7  }
0x45: {  	v8 =	vmov s30;
	v1 =	vadd.f32 $1.258293600e+07, v4  }
0x46: {  	s9 =	simm.s32 $0x4;
	vm14 =	vlt.s32 v8, v0;
	v3 =	vsub.f32 v3, v2;
	v7 =	vadd.f32 $1.258291200e+07, v5  }
0x47: {  	s31 =	smin.u32 s9, $0x3FF;
	v6 =	vnsel vm14, $0x0, v6;
	v4 =	vadd.f32 $1.258291200e+07, v4;
	v1 =	vsub.f32 v1, v2  }
0x48: {  	s13 =	simm.s32 $0x3;
	p1 =	por $0x1, $0x1;
	s14 =	sshll.u32 s31, $0x4;
	[tilespmem:s8+$0x0] =	vst v6;
	v3 =	vmax.f32 v7, v3  }
.Ltmp1:
0x49: {  	v4 =	vsub.f32 v2, v4;
	v2 =	vld [tilespmem:s14+$0x0];
	v1 =	vmin.f32 v3, v1;
	v3 =	vmov s13;
	(pc) =	sbr.rel @!p1 .LBB2_3-.Ltmp1, $4  }
0x4a: {  	s11 =	sadd.s32 $0x1000, s1;
	vm15 =	vlt.s32 v3, v0;
	v3 =	vld [tilespmem:s14+$0x8000]  }
0x4b: {  	s12 =	sadd.s32 $0x1000, s2;
	s10 =	sadd.s32 $0x2600, s3;
	s3 =	sadd.s32 $0x1800, s1;
	v6 =	vadd.f32 $-1.258291200e+07, v1  }
0x4c: {  	s1 =	sadd.s32 $0x1800, s10;
	s5 =	sadd.s32 $0x1800, s2;
	s2 =	sadd.s32 $0x1000, s10  }
0x4d: {  	s4 =	sadd.s32 $0x800, s10;
	s13 =	simm.s32 $0x8;
	v1 =	vadd.f32 v1, v4;
	s14 =	simm.s32 $0x60;
	v4 =	vsub.f32 v5, v6;
	v5 =	vnsel vm15, $0x0, v6  }
.LBB2_2:
0x4e: {  	s15 =	sadd.s32 $0xFFFFFFFC, s13;
	[tilespmem:s8+$0x10] =	vst v5;
	s7 =	sadd.s32 $0x40, s7;
	s8 =	sadd.s32 $0x40, s8  }
0x4f: {  	v5 =	vadd.f32 $1.258288800e+07, v3;
	v2 =	vadd.f32 v2, v4;
	v4 =	vmov s15;
	p1 =	slt.u32 s15, $0x3FC  }
0x50: {  	v6 =	vadd.f32 $1.258291200e+07, v3;
	v3 =	vadd.f32 $1.258293600e+07, v3  }
0x51: {  	v5 =	vsub.f32 v5, v1;
	v7 =	vadd.f32 $1.258291200e+07, v2  }
0x52: {  	v3 =	vsub.f32 v3, v1  }
0x53: {  	v1 =	vsub.f32 v1, v6;
	v8 =	vld [tilespmem:s7+$0xFFFFFFF0];
	v5 =	vmax.f32 v7, v5  }
0x54: {  	v6 =	vld [tilespmem:s14+$0xFFFFFFF0];
	v3 =	vmin.f32 v5, v3  }
0x55: {  	v5 =	vadd.f32 $-1.258291200e+07, v3;
	v1 =	vadd.f32 v3, v1  }
0x56: {  	vm0 =	vlt.s32 v4, v0  }
0x57: {  	v2 =	vsub.f32 v2, v5;
	v3 =	vnsel vm0, $0x0, v5  }
0x58: {  	[tilespmem:s8+$0xFFFFFFE0] =	vst v3;
	v3 =	vadd.f32 $1.258291200e+07, v8  }
0x59: {  	v4 =	vadd.f32 $1.258288800e+07, v8;
	v2 =	vadd.f32 v6, v2  }
0x5a: {  	v5 =	vadd.f32 $1.258293600e+07, v8;
	v3 =	vsub.f32 v1, v3  }
0x5b: {  	v4 =	vsub.f32 v4, v1;
	v6 =	vadd.f32 $1.258291200e+07, v2  }
0x5c: {  	v1 =	vsub.f32 v5, v1  }
0x5d: {  	v5 =	vld [tilespmem:s7+$0x0];
	v4 =	vmax.f32 v6, v4  }
0x5e: {  	s15 =	sadd.s32 $0xFFFFFFFD, s13;
	v6 =	vld [tilespmem:s14+$0x0];
	v1 =	vmin.f32 v4, v1  }
0x5f: {  	v4 =	vadd.f32 $-1.258291200e+07, v1;
	v1 =	vadd.f32 v1, v3;
	v3 =	vmov s15  }
0x60: {  	vm0 =	vlt.s32 v3, v0  }
0x61: {  	v2 =	vsub.f32 v2, v4;
	v3 =	vnsel vm0, $0x0, v4  }
0x62: {  	[tilespmem:s8+$0xFFFFFFF0] =	vst v3;
	v3 =	vadd.f32 $1.258291200e+07, v5  }
0x63: {  	v7 =	vadd.f32 $1.258288800e+07, v5;
	v4 =	vld [tilespmem:s7+$0x10];
	v2 =	vadd.f32 v2, v6  }
0x64: {  	v5 =	vadd.f32 $1.258293600e+07, v5;
	v3 =	vsub.f32 v1, v3  }
0x65: {  	v6 =	vsub.f32 v7, v1;
	v7 =	vadd.f32 $1.258291200e+07, v2  }
0x66: {  	v1 =	vsub.f32 v5, v1  }
0x67: {  	v5 =	vmax.f32 v7, v6  }
0x68: {  	s15 =	sadd.s32 $0xFFFFFFFE, s13;
	v6 =	vld [tilespmem:s14+$0x10];
	v1 =	vmin.f32 v5, v1  }
0x69: {  	v5 =	vadd.f32 $-1.258291200e+07, v1;
	v1 =	vadd.f32 v1, v3;
	v3 =	vmov s15  }
0x6a: {  	vm0 =	vlt.s32 v3, v0  }
0x6b: {  	s15 =	smin.u32 s13, $0x3FF;
	v3 =	vsub.f32 v2, v5;
	v2 =	vnsel vm0, $0x0, v5  }
0x6c: {  	s15 =	sshll.u32 s15, $0x4;
	[tilespmem:s8+$0x0] =	vst v2  }
0x6d: {  	v5 =	vadd.f32 $1.258288800e+07, v4;
	v2 =	vld [tilespmem:s15+$0x0];
	v6 =	vadd.f32 v3, v6  }
0x6e: {  	v7 =	vadd.f32 $1.258291200e+07, v4;
	v4 =	vadd.f32 $1.258293600e+07, v4;
	v3 =	vld [tilespmem:s15+$0x8000]  }
0x6f: {  	v5 =	vsub.f32 v5, v1;
	v8 =	vadd.f32 $1.258291200e+07, v6  }
0x70: {  	v4 =	vsub.f32 v4, v1  }
.Ltmp2:
0x71: {  	v1 =	vsub.f32 v1, v7;
	v5 =	vmax.f32 v8, v5;
	(pc) =	sbr.rel @p1 .LBB2_2-.Ltmp2, $4  }
0x72: {  	s15 =	sadd.s32 $0xFFFFFFFF, s13;
	v4 =	vmin.f32 v5, v4  }
0x73: {  	v5 =	vadd.f32 $-1.258291200e+07, v4;
	v1 =	vadd.f32 v4, v1;
	v4 =	vmov s15  }
0x74: {  	vm0 =	vlt.s32 v4, v0  }
0x75: {  	s14 =	sadd.s32 $0x40, s14;
	s13 =	sadd.s32 $0x4, s13;
	v4 =	vsub.f32 v6, v5;
	v5 =	vnsel vm0, $0x0, v5  }
.LBB2_3:
0x76: {  	[tilespmem:s8+$0x10] =	vst v5;
	s7 =	simm.s32 $0x0;
	s23 =	simm.s32 $0x10000  }
0x77: {  	[hbm4b:s10+s7] =	stream.linear.scatter [tilespmem:s23], [sflag:$0x5], $0x4000, $0x38;
	[tilespmem:$0x18030] =	vst v63  }
0x78: {  	_ = 	snop  }
0x79: {  	[tilespmem:s7], [sflag:$0x1] =	stream.linear.gather [hbm4b:s11+s7], $0x4000, $0x38;
	[tilespmem:$0x18030] =	vst v63  }
0x7a: {  	s24 =	simm.s32 $0x2  }
0x7b: {  	[tilespmem:s6], [sflag:$0x3] =	stream.linear.gather [hbm4b:s12+s7], $0x4000, $0x38;
	[tilespmem:$0x18030] =	vst v63  }
0x7c: {  	_ =	swait.ge [sflag:s24], $0x4000  }
0x7d: {  	[sflag:s24] =	ssyncset.done $0x0  }
0x7e: {  	[sflag:s24] =	ssyncadd.s32 $0xFFFFC000  }
0x7f: {  	_ =	swait.ge [sflag:s9], $0x4000  }
0x80: {  	[sflag:s9] =	ssyncset.done $0x0  }
0x81: {  	[sflag:s9] =	ssyncadd.s32 $0xFFFFC000  }
0x82: {  	v2 =	vld [tilespmem:$0x4000]  }
0x83: {  	v3 =	vld [tilespmem:$0xC000];
	_ =	sdelay $0x4  }
0x84: {  	v5 =	vadd.f32 $1.258288800e+07, v3;
	v2 =	vadd.f32 v2, v4  }
0x85: {  	v4 =	vadd.f32 $1.258293600e+07, v3  }
0x86: {  	v5 =	vsub.f32 v5, v1;
	v6 =	vadd.f32 $1.258291200e+07, v2  }
0x87: {  	s6 =	simm.s32 $0x4020;
	v4 =	vsub.f32 v4, v1  }
0x88: {  	s7 =	simm.s32 $0xC020;
	v7 =	vld [tilespmem:s6+$0xFFFFFFF0];
	v5 =	vmax.f32 v6, v5  }
0x89: {  	v3 =	vadd.f32 $1.258291200e+07, v3;
	v6 =	vld [tilespmem:s7+$0xFFFFFFF0];
	v4 =	vmin.f32 v5, v4  }
0x8a: {  	v5 =	vadd.f32 $-1.258291200e+07, v4  }
0x8b: {  	v1 =	vsub.f32 v1, v3  }
0x8c: {  	v2 =	vsub.f32 v2, v5  }
0x8d: {  	s25 =	simm.s32 $0x400;
	v1 =	vadd.f32 v4, v1  }
0x8e: {  	v3 =	vmov s25;
	v4 =	vadd.f32 $1.258288800e+07, v6;
	v2 =	vadd.f32 v7, v2  }
0x8f: {  	vm0 =	vlt.s32 v3, v0;
	v3 =	vadd.f32 $1.258293600e+07, v6  }
0x90: {  	s8 =	simm.s32 $0x14020;
	v5 =	vnsel vm0, $0x0, v5;
	v4 =	vsub.f32 v4, v1;
	v7 =	vadd.f32 $1.258291200e+07, v2  }
0x91: {  	[tilespmem:s8+$0xFFFFFFE0] =	vst v5;
	v3 =	vsub.f32 v3, v1  }
0x92: {  	v5 =	vld [tilespmem:s7+$0x0];
	v4 =	vmax.f32 v7, v4  }
0x93: {  	v7 =	vld [tilespmem:s6+$0x0];
	v3 =	vmin.f32 v4, v3  }
0x94: {  	v6 =	vadd.f32 $1.258291200e+07, v6;
	v4 =	vadd.f32 $-1.258291200e+07, v3;
	_ =	sdelay $0x1  }
0x95: {  	v1 =	vsub.f32 v1, v6;
	v2 =	vsub.f32 v2, v4  }
0x96: {  	s26 =	simm.s32 $0x401;
	v6 =	vadd.f32 $1.258288800e+07, v5  }
0x97: {  	v1 =	vadd.f32 v3, v1;
	v3 =	vmov s26;
	v2 =	vadd.f32 v2, v7  }
0x98: {  	vm13 =	vlt.s32 v3, v0;
	v3 =	vadd.f32 $1.258293600e+07, v5  }
0x99: {  	v4 =	vnsel vm13, $0x0, v4;
	v6 =	vsub.f32 v6, v1;
	v7 =	vadd.f32 $1.258291200e+07, v2  }
0x9a: {  	[tilespmem:s8+$0xFFFFFFF0] =	vst v4;
	v3 =	vsub.f32 v3, v1  }
0x9b: {  	v4 =	vld [tilespmem:s7+$0x10];
	v6 =	vmax.f32 v7, v6  }
0x9c: {  	v5 =	vadd.f32 $1.258291200e+07, v5;
	v7 =	vld [tilespmem:s6+$0x10];
	v3 =	vmin.f32 v6, v3  }
0x9d: {  	v6 =	vadd.f32 $-1.258291200e+07, v3  }
0x9e: {  	v1 =	vsub.f32 v1, v5  }
0x9f: {  	v2 =	vsub.f32 v2, v6  }
0xa0: {  	v1 =	vadd.f32 v3, v1  }
0xa1: {  	s28 =	simm.s32 $0x402;
	v3 =	vadd.f32 $1.258288800e+07, v4;
	v5 =	vadd.f32 v2, v7  }
0xa2: {  	v8 =	vmov s28;
	v2 =	vadd.f32 $1.258293600e+07, v4  }
0xa3: {  	s29 =	simm.s32 $0x4;
	vm14 =	vlt.s32 v8, v0;
	v3 =	vsub.f32 v3, v1;
	v7 =	vadd.f32 $1.258291200e+07, v5  }
0xa4: {  	s9 =	smin.u32 s29, $0x3FF;
	v6 =	vnsel vm14, $0x0, v6;
	v2 =	vsub.f32 v2, v1  }
0xa5: {  	s30 =	simm.s32 $0x403;
	s31 =	sshll.u32 s9, $0x4;
	[tilespmem:s8+$0x0] =	vst v6;
	v4 =	vadd.f32 $1.258291200e+07, v4;
	v3 =	vmax.f32 v7, v3  }
0xa6: {  	v7 =	vmin.f32 v3, v2;
	v3 =	vmov s30;
	v2 =	vld [tilespmem:s31+$0x4000]  }
0xa7: {  	v1 =	vsub.f32 v1, v4;
	v6 =	vadd.f32 $-1.258291200e+07, v7;
	vm15 =	vlt.s32 v3, v0;
	v3 =	vld [tilespmem:s31+$0xC000];
	_ =	sdelay $0x1  }
0xa8: {  	s10 =	simm.s32 $0x14060;
	s9 =	simm.s32 $0x0;
	v1 =	vadd.f32 v7, v1;
	v4 =	vsub.f32 v5, v6;
	v5 =	vnsel vm15, $0x0, v6  }
.LBB2_4:
0xa9: {  	s6 =	sadd.s32 $0x40, s6;
	s7 =	sadd.s32 $0x40, s7  }
0xaa: {  	[tilespmem:s8+$0x10] =	vst v5;
	s11 =	smov.u32 s9;
	s9 =	sadd.s32 $0x4, s9;
	s8 =	smov.u32 s10  }
0xab: {  	v5 =	vadd.f32 $1.258288800e+07, v3;
	v2 =	vadd.f32 v2, v4;
	p1 =	slt.u32 s9, $0x3FC  }
0xac: {  	v4 =	vadd.f32 $1.258291200e+07, v3;
	v3 =	vadd.f32 $1.258293600e+07, v3  }
0xad: {  	v5 =	vsub.f32 v5, v1;
	v6 =	vadd.f32 $1.258291200e+07, v2  }
0xae: {  	v3 =	vsub.f32 v3, v1  }
0xaf: {  	v1 =	vsub.f32 v1, v4;
	v7 =	vld [tilespmem:s6+$0xFFFFFFF0];
	v5 =	vmax.f32 v6, v5  }
0xb0: {  	s12 =	sadd.s32 $0x404, s11;
	v4 =	vld [tilespmem:s7+$0xFFFFFFF0];
	v3 =	vmin.f32 v5, v3  }
0xb1: {  	v5 =	vadd.f32 $-1.258291200e+07, v3;
	v1 =	vadd.f32 v3, v1;
	v3 =	vmov s12  }
0xb2: {  	vm0 =	vlt.s32 v3, v0  }
0xb3: {  	v2 =	vsub.f32 v2, v5;
	v3 =	vnsel vm0, $0x0, v5  }
0xb4: {  	[tilespmem:s10+$0xFFFFFFE0] =	vst v3  }
0xb5: {  	v3 =	vadd.f32 $1.258288800e+07, v4;
	v2 =	vadd.f32 v7, v2  }
0xb6: {  	v5 =	vadd.f32 $1.258291200e+07, v4;
	v4 =	vadd.f32 $1.258293600e+07, v4  }
0xb7: {  	v3 =	vsub.f32 v3, v1;
	v6 =	vadd.f32 $1.258291200e+07, v2  }
0xb8: {  	v4 =	vsub.f32 v4, v1;
	v1 =	vsub.f32 v1, v5  }
0xb9: {  	v5 =	vld [tilespmem:s7+$0x0];
	v3 =	vmax.f32 v6, v3  }
0xba: {  	s12 =	sadd.s32 $0x405, s11;
	v6 =	vld [tilespmem:s6+$0x0];
	v3 =	vmin.f32 v3, v4  }
0xbb: {  	v4 =	vadd.f32 $-1.258291200e+07, v3;
	v1 =	vadd.f32 v3, v1;
	v3 =	vmov s12  }
0xbc: {  	vm0 =	vlt.s32 v3, v0  }
0xbd: {  	v2 =	vsub.f32 v2, v4;
	v3 =	vnsel vm0, $0x0, v4  }
0xbe: {  	[tilespmem:s10+$0xFFFFFFF0] =	vst v3;
	v3 =	vadd.f32 $1.258291200e+07, v5  }
0xbf: {  	v7 =	vadd.f32 $1.258288800e+07, v5;
	v4 =	vld [tilespmem:s7+$0x10];
	v2 =	vadd.f32 v2, v6  }
0xc0: {  	v5 =	vadd.f32 $1.258293600e+07, v5;
	v3 =	vsub.f32 v1, v3  }
0xc1: {  	v6 =	vsub.f32 v7, v1;
	v7 =	vadd.f32 $1.258291200e+07, v2  }
0xc2: {  	v1 =	vsub.f32 v5, v1  }
0xc3: {  	v5 =	vmax.f32 v7, v6  }
0xc4: {  	s12 =	sadd.s32 $0x406, s11;
	v6 =	vld [tilespmem:s6+$0x10];
	v1 =	vmin.f32 v5, v1  }
0xc5: {  	v5 =	vadd.f32 $-1.258291200e+07, v1;
	v1 =	vadd.f32 v1, v3;
	v3 =	vmov s12  }
0xc6: {  	s12 =	sadd.s32 $0x8, s11;
	vm0 =	vlt.s32 v3, v0  }
0xc7: {  	s12 =	smin.u32 s12, $0x3FF;
	v3 =	vsub.f32 v2, v5;
	v2 =	vnsel vm0, $0x0, v5  }
0xc8: {  	s12 =	sshll.u32 s12, $0x4;
	[tilespmem:s10+$0x0] =	vst v2  }
0xc9: {  	v5 =	vadd.f32 $1.258288800e+07, v4;
	v2 =	vld [tilespmem:s12+$0x4000];
	v6 =	vadd.f32 v3, v6  }
0xca: {  	v7 =	vadd.f32 $1.258291200e+07, v4;
	v4 =	vadd.f32 $1.258293600e+07, v4;
	v3 =	vld [tilespmem:s12+$0xC000]  }
0xcb: {  	v5 =	vsub.f32 v5, v1;
	v8 =	vadd.f32 $1.258291200e+07, v6  }
0xcc: {  	v4 =	vsub.f32 v4, v1  }
.Ltmp3:
0xcd: {  	v1 =	vsub.f32 v1, v7;
	v5 =	vmax.f32 v8, v5;
	(pc) =	sbr.rel @p1 .LBB2_4-.Ltmp3, $4  }
0xce: {  	s11 =	sadd.s32 $0x407, s11;
	v4 =	vmin.f32 v5, v4  }
0xcf: {  	v5 =	vadd.f32 $-1.258291200e+07, v4;
	v1 =	vadd.f32 v4, v1;
	v4 =	vmov s11  }
0xd0: {  	vm0 =	vlt.s32 v4, v0  }
0xd1: {  	s10 =	sadd.s32 $0x40, s10;
	v4 =	vsub.f32 v6, v5;
	v5 =	vnsel vm0, $0x0, v5  }
0xd2: {  	[tilespmem:s8+$0x10] =	vst v5;
	s6 =	simm.s32 $0x0;
	s7 =	simm.s32 $0x14000  }
0xd3: {  	[hbm4b:s4+s6] =	stream.linear.scatter [tilespmem:s7], [sflag:$0x6], $0x4000, $0x38;
	[tilespmem:$0x18030] =	vst v63  }
0xd4: {  	s20 =	simm.s32 $0x4000  }
0xd5: {  	[tilespmem:s20], [sflag:$0x2] =	stream.linear.gather [hbm4b:s3+s6], $0x4000, $0x38;
	[tilespmem:$0x18030] =	vst v63  }
0xd6: {  	s21 =	simm.s32 $0xC000;
	s22 =	simm.s32 $0x1  }
0xd7: {  	[tilespmem:s21], [sflag:$0x4] =	stream.linear.gather [hbm4b:s5+s6], $0x4000, $0x38;
	[tilespmem:$0x18030] =	vst v63  }
0xd8: {  	_ =	swait.ge [sflag:s22], $0x4000  }
0xd9: {  	[sflag:s22] =	ssyncset.done $0x0  }
0xda: {  	s23 =	simm.s32 $0x3;
	[sflag:s22] =	ssyncadd.s32 $0xFFFFC000  }
0xdb: {  	_ =	swait.ge [sflag:s23], $0x4000  }
0xdc: {  	[sflag:s23] =	ssyncset.done $0x0  }
0xdd: {  	s24 =	simm.s32 $0x5;
	[sflag:s23] =	ssyncadd.s32 $0xFFFFC000  }
0xde: {  	_ =	swait.ge [sflag:s24], $0x4000  }
0xdf: {  	[sflag:s24] =	ssyncset.done $0x0  }
0xe0: {  	[sflag:s24] =	ssyncadd.s32 $0xFFFFC000  }
0xe1: {  	v2 =	vld [tilespmem:$0x0]  }
0xe2: {  	v3 =	vld [tilespmem:$0x8000];
	_ =	sdelay $0x4  }
0xe3: {  	v5 =	vadd.f32 $1.258288800e+07, v3;
	v2 =	vadd.f32 v2, v4  }
0xe4: {  	v4 =	vadd.f32 $1.258293600e+07, v3  }
0xe5: {  	v5 =	vsub.f32 v5, v1;
	v6 =	vadd.f32 $1.258291200e+07, v2  }
0xe6: {  	s3 =	simm.s32 $0x20;
	v4 =	vsub.f32 v4, v1  }
0xe7: {  	s4 =	simm.s32 $0x8020;
	v7 =	vld [tilespmem:s3+$0xFFFFFFF0];
	v5 =	vmax.f32 v6, v5  }
0xe8: {  	v3 =	vadd.f32 $1.258291200e+07, v3;
	v6 =	vld [tilespmem:s4+$0xFFFFFFF0];
	v4 =	vmin.f32 v5, v4  }
0xe9: {  	v5 =	vadd.f32 $-1.258291200e+07, v4  }
0xea: {  	v1 =	vsub.f32 v1, v3  }
0xeb: {  	v2 =	vsub.f32 v2, v5  }
0xec: {  	s25 =	simm.s32 $0x800;
	v1 =	vadd.f32 v4, v1  }
0xed: {  	v3 =	vmov s25;
	v4 =	vadd.f32 $1.258288800e+07, v6;
	v2 =	vadd.f32 v7, v2  }
0xee: {  	vm0 =	vlt.s32 v3, v0;
	v3 =	vadd.f32 $1.258293600e+07, v6  }
0xef: {  	s5 =	simm.s32 $0x10020;
	v5 =	vnsel vm0, $0x0, v5;
	v4 =	vsub.f32 v4, v1;
	v7 =	vadd.f32 $1.258291200e+07, v2  }
0xf0: {  	[tilespmem:s5+$0xFFFFFFE0] =	vst v5;
	v3 =	vsub.f32 v3, v1  }
0xf1: {  	v5 =	vld [tilespmem:s4+$0x0];
	v4 =	vmax.f32 v7, v4  }
0xf2: {  	v7 =	vld [tilespmem:s3+$0x0];
	v3 =	vmin.f32 v4, v3  }
0xf3: {  	v6 =	vadd.f32 $1.258291200e+07, v6;
	v4 =	vadd.f32 $-1.258291200e+07, v3;
	_ =	sdelay $0x1  }
0xf4: {  	v1 =	vsub.f32 v1, v6;
	v2 =	vsub.f32 v2, v4  }
0xf5: {  	s26 =	simm.s32 $0x801;
	v6 =	vadd.f32 $1.258288800e+07, v5  }
0xf6: {  	v1 =	vadd.f32 v3, v1;
	v3 =	vmov s26;
	v2 =	vadd.f32 v2, v7  }
0xf7: {  	vm13 =	vlt.s32 v3, v0;
	v3 =	vadd.f32 $1.258293600e+07, v5  }
0xf8: {  	v4 =	vnsel vm13, $0x0, v4;
	v6 =	vsub.f32 v6, v1;
	v7 =	vadd.f32 $1.258291200e+07, v2  }
0xf9: {  	[tilespmem:s5+$0xFFFFFFF0] =	vst v4;
	v3 =	vsub.f32 v3, v1  }
0xfa: {  	v4 =	vld [tilespmem:s4+$0x10];
	v6 =	vmax.f32 v7, v6  }
0xfb: {  	v5 =	vadd.f32 $1.258291200e+07, v5;
	v7 =	vld [tilespmem:s3+$0x10];
	v3 =	vmin.f32 v6, v3  }
0xfc: {  	v6 =	vadd.f32 $-1.258291200e+07, v3  }
0xfd: {  	v1 =	vsub.f32 v1, v5  }
0xfe: {  	v2 =	vsub.f32 v2, v6  }
0xff: {  	v1 =	vadd.f32 v3, v1  }
0x100: {  	s28 =	simm.s32 $0x802;
	v3 =	vadd.f32 $1.258288800e+07, v4;
	v5 =	vadd.f32 v2, v7  }
0x101: {  	v8 =	vmov s28;
	v2 =	vadd.f32 $1.258293600e+07, v4  }
0x102: {  	s29 =	simm.s32 $0x4;
	vm14 =	vlt.s32 v8, v0;
	v3 =	vsub.f32 v3, v1;
	v7 =	vadd.f32 $1.258291200e+07, v5  }
0x103: {  	s6 =	smin.u32 s29, $0x3FF;
	v6 =	vnsel vm14, $0x0, v6;
	v2 =	vsub.f32 v2, v1  }
0x104: {  	s30 =	simm.s32 $0x803;
	s31 =	sshll.u32 s6, $0x4;
	[tilespmem:s5+$0x0] =	vst v6;
	v4 =	vadd.f32 $1.258291200e+07, v4;
	v3 =	vmax.f32 v7, v3  }
0x105: {  	v7 =	vmin.f32 v3, v2;
	v3 =	vmov s30;
	v2 =	vld [tilespmem:s31+$0x0]  }
0x106: {  	v1 =	vsub.f32 v1, v4;
	v6 =	vadd.f32 $-1.258291200e+07, v7;
	vm15 =	vlt.s32 v3, v0;
	v3 =	vld [tilespmem:s31+$0x8000];
	_ =	sdelay $0x1  }
0x107: {  	s7 =	simm.s32 $0x10060;
	s6 =	simm.s32 $0x0;
	v1 =	vadd.f32 v7, v1;
	v4 =	vsub.f32 v5, v6;
	v5 =	vnsel vm15, $0x0, v6  }
.LBB2_6:
0x108: {  	s3 =	sadd.s32 $0x40, s3;
	s4 =	sadd.s32 $0x40, s4  }
0x109: {  	[tilespmem:s5+$0x10] =	vst v5;
	s8 =	smov.u32 s6;
	s6 =	sadd.s32 $0x4, s6;
	s5 =	smov.u32 s7  }
0x10a: {  	v5 =	vadd.f32 $1.258288800e+07, v3;
	v2 =	vadd.f32 v2, v4;
	p1 =	slt.u32 s6, $0x3FC  }
0x10b: {  	v4 =	vadd.f32 $1.258291200e+07, v3;
	v3 =	vadd.f32 $1.258293600e+07, v3  }
0x10c: {  	v5 =	vsub.f32 v5, v1;
	v6 =	vadd.f32 $1.258291200e+07, v2  }
0x10d: {  	v3 =	vsub.f32 v3, v1  }
0x10e: {  	v1 =	vsub.f32 v1, v4;
	v7 =	vld [tilespmem:s3+$0xFFFFFFF0];
	v5 =	vmax.f32 v6, v5  }
0x10f: {  	s9 =	sadd.s32 $0x804, s8;
	v4 =	vld [tilespmem:s4+$0xFFFFFFF0];
	v3 =	vmin.f32 v5, v3  }
0x110: {  	v5 =	vadd.f32 $-1.258291200e+07, v3;
	v1 =	vadd.f32 v3, v1;
	v3 =	vmov s9  }
0x111: {  	vm0 =	vlt.s32 v3, v0  }
0x112: {  	v2 =	vsub.f32 v2, v5;
	v3 =	vnsel vm0, $0x0, v5  }
0x113: {  	[tilespmem:s7+$0xFFFFFFE0] =	vst v3  }
0x114: {  	v3 =	vadd.f32 $1.258288800e+07, v4;
	v2 =	vadd.f32 v7, v2  }
0x115: {  	v5 =	vadd.f32 $1.258291200e+07, v4;
	v4 =	vadd.f32 $1.258293600e+07, v4  }
0x116: {  	v3 =	vsub.f32 v3, v1;
	v6 =	vadd.f32 $1.258291200e+07, v2  }
0x117: {  	v4 =	vsub.f32 v4, v1;
	v1 =	vsub.f32 v1, v5  }
0x118: {  	v5 =	vld [tilespmem:s4+$0x0];
	v3 =	vmax.f32 v6, v3  }
0x119: {  	s9 =	sadd.s32 $0x805, s8;
	v6 =	vld [tilespmem:s3+$0x0];
	v3 =	vmin.f32 v3, v4  }
0x11a: {  	v4 =	vadd.f32 $-1.258291200e+07, v3;
	v1 =	vadd.f32 v3, v1;
	v3 =	vmov s9  }
0x11b: {  	vm0 =	vlt.s32 v3, v0  }
0x11c: {  	v2 =	vsub.f32 v2, v4;
	v3 =	vnsel vm0, $0x0, v4  }
0x11d: {  	[tilespmem:s7+$0xFFFFFFF0] =	vst v3;
	v3 =	vadd.f32 $1.258291200e+07, v5  }
0x11e: {  	v7 =	vadd.f32 $1.258288800e+07, v5;
	v4 =	vld [tilespmem:s4+$0x10];
	v2 =	vadd.f32 v2, v6  }
0x11f: {  	v5 =	vadd.f32 $1.258293600e+07, v5;
	v3 =	vsub.f32 v1, v3  }
0x120: {  	v6 =	vsub.f32 v7, v1;
	v7 =	vadd.f32 $1.258291200e+07, v2  }
0x121: {  	v1 =	vsub.f32 v5, v1  }
0x122: {  	v5 =	vmax.f32 v7, v6  }
0x123: {  	s9 =	sadd.s32 $0x806, s8;
	v6 =	vld [tilespmem:s3+$0x10];
	v1 =	vmin.f32 v5, v1  }
0x124: {  	v5 =	vadd.f32 $-1.258291200e+07, v1;
	v1 =	vadd.f32 v1, v3;
	v3 =	vmov s9  }
0x125: {  	s9 =	sadd.s32 $0x8, s8;
	vm0 =	vlt.s32 v3, v0  }
0x126: {  	s9 =	smin.u32 s9, $0x3FF;
	v3 =	vsub.f32 v2, v5;
	v2 =	vnsel vm0, $0x0, v5  }
0x127: {  	s9 =	sshll.u32 s9, $0x4;
	[tilespmem:s7+$0x0] =	vst v2  }
0x128: {  	v5 =	vadd.f32 $1.258288800e+07, v4;
	v2 =	vld [tilespmem:s9+$0x0];
	v6 =	vadd.f32 v3, v6  }
0x129: {  	v7 =	vadd.f32 $1.258291200e+07, v4;
	v4 =	vadd.f32 $1.258293600e+07, v4;
	v3 =	vld [tilespmem:s9+$0x8000]  }
0x12a: {  	v5 =	vsub.f32 v5, v1;
	v8 =	vadd.f32 $1.258291200e+07, v6  }
0x12b: {  	v4 =	vsub.f32 v4, v1  }
.Ltmp4:
0x12c: {  	v1 =	vsub.f32 v1, v7;
	v5 =	vmax.f32 v8, v5;
	(pc) =	sbr.rel @p1 .LBB2_6-.Ltmp4, $4  }
0x12d: {  	s8 =	sadd.s32 $0x807, s8;
	v4 =	vmin.f32 v5, v4  }
0x12e: {  	v5 =	vadd.f32 $-1.258291200e+07, v4;
	v1 =	vadd.f32 v4, v1;
	v4 =	vmov s8  }
0x12f: {  	vm0 =	vlt.s32 v4, v0  }
0x130: {  	s7 =	sadd.s32 $0x40, s7;
	v4 =	vsub.f32 v6, v5;
	v5 =	vnsel vm0, $0x0, v5  }
0x131: {  	[tilespmem:s5+$0x10] =	vst v5;
	s3 =	simm.s32 $0x0;
	s4 =	simm.s32 $0x10000;
	s24 =	simm.s32 $0x2  }
0x132: {  	[hbm4b:s2+s3] =	stream.linear.scatter [tilespmem:s4], [sflag:$0x5], $0x4000, $0x38;
	[tilespmem:$0x18030] =	vst v63  }
0x133: {  	_ =	swait.ge [sflag:s24], $0x4000  }
0x134: {  	[sflag:s24] =	ssyncset.done $0x0  }
0x135: {  	s25 =	simm.s32 $0x4;
	[sflag:s24] =	ssyncadd.s32 $0xFFFFC000  }
0x136: {  	_ =	swait.ge [sflag:s25], $0x4000  }
0x137: {  	[sflag:s25] =	ssyncset.done $0x0  }
0x138: {  	s26 =	simm.s32 $0x6;
	[sflag:s25] =	ssyncadd.s32 $0xFFFFC000  }
0x139: {  	_ =	swait.ge [sflag:s26], $0x4000  }
0x13a: {  	[sflag:s26] =	ssyncset.done $0x0  }
0x13b: {  	[sflag:s26] =	ssyncadd.s32 $0xFFFFC000  }
0x13c: {  	v2 =	vld [tilespmem:$0x4000]  }
0x13d: {  	v3 =	vld [tilespmem:$0xC000];
	_ =	sdelay $0x4  }
0x13e: {  	v5 =	vadd.f32 $1.258288800e+07, v3;
	v2 =	vadd.f32 v2, v4  }
0x13f: {  	v4 =	vadd.f32 $1.258293600e+07, v3  }
0x140: {  	v5 =	vsub.f32 v5, v1;
	v6 =	vadd.f32 $1.258291200e+07, v2  }
0x141: {  	s2 =	simm.s32 $0x4020;
	v4 =	vsub.f32 v4, v1  }
0x142: {  	s3 =	simm.s32 $0xC020;
	v7 =	vld [tilespmem:s2+$0xFFFFFFF0];
	v5 =	vmax.f32 v6, v5  }
0x143: {  	v3 =	vadd.f32 $1.258291200e+07, v3;
	v6 =	vld [tilespmem:s3+$0xFFFFFFF0];
	v4 =	vmin.f32 v5, v4  }
0x144: {  	v5 =	vadd.f32 $-1.258291200e+07, v4  }
0x145: {  	v1 =	vsub.f32 v1, v3  }
0x146: {  	v2 =	vsub.f32 v2, v5  }
0x147: {  	s28 =	simm.s32 $0xC00;
	v1 =	vadd.f32 v4, v1  }
0x148: {  	v3 =	vmov s28;
	v4 =	vadd.f32 $1.258288800e+07, v6;
	v2 =	vadd.f32 v7, v2  }
0x149: {  	vm0 =	vlt.s32 v3, v0;
	v3 =	vadd.f32 $1.258293600e+07, v6  }
0x14a: {  	s4 =	simm.s32 $0x14020;
	v5 =	vnsel vm0, $0x0, v5;
	v4 =	vsub.f32 v4, v1;
	v7 =	vadd.f32 $1.258291200e+07, v2  }
0x14b: {  	[tilespmem:s4+$0xFFFFFFE0] =	vst v5;
	v3 =	vsub.f32 v3, v1  }
0x14c: {  	v5 =	vld [tilespmem:s3+$0x0];
	v4 =	vmax.f32 v7, v4  }
0x14d: {  	v7 =	vld [tilespmem:s2+$0x0];
	v3 =	vmin.f32 v4, v3  }
0x14e: {  	v6 =	vadd.f32 $1.258291200e+07, v6;
	v4 =	vadd.f32 $-1.258291200e+07, v3;
	_ =	sdelay $0x1  }
0x14f: {  	v1 =	vsub.f32 v1, v6;
	v2 =	vsub.f32 v2, v4  }
0x150: {  	s29 =	simm.s32 $0xC01;
	v6 =	vadd.f32 $1.258288800e+07, v5  }
0x151: {  	v1 =	vadd.f32 v3, v1;
	v3 =	vmov s29;
	v2 =	vadd.f32 v2, v7  }
0x152: {  	vm13 =	vlt.s32 v3, v0;
	v3 =	vadd.f32 $1.258293600e+07, v5  }
0x153: {  	v4 =	vnsel vm13, $0x0, v4;
	v6 =	vsub.f32 v6, v1;
	v7 =	vadd.f32 $1.258291200e+07, v2  }
0x154: {  	[tilespmem:s4+$0xFFFFFFF0] =	vst v4;
	v3 =	vsub.f32 v3, v1  }
0x155: {  	v4 =	vld [tilespmem:s3+$0x10];
	v6 =	vmax.f32 v7, v6  }
0x156: {  	v5 =	vadd.f32 $1.258291200e+07, v5;
	v7 =	vld [tilespmem:s2+$0x10];
	v3 =	vmin.f32 v6, v3  }
0x157: {  	v6 =	vadd.f32 $-1.258291200e+07, v3  }
0x158: {  	v1 =	vsub.f32 v1, v5  }
0x159: {  	v2 =	vsub.f32 v2, v6  }
0x15a: {  	v1 =	vadd.f32 v3, v1  }
0x15b: {  	s30 =	simm.s32 $0xC02;
	v3 =	vadd.f32 $1.258288800e+07, v4;
	v5 =	vadd.f32 v2, v7  }
0x15c: {  	v8 =	vmov s30;
	v2 =	vadd.f32 $1.258293600e+07, v4  }
0x15d: {  	s31 =	simm.s32 $0x4;
	vm14 =	vlt.s32 v8, v0;
	v3 =	vsub.f32 v3, v1;
	v7 =	vadd.f32 $1.258291200e+07, v5  }
0x15e: {  	s5 =	smin.u32 s31, $0x3FF;
	v6 =	vnsel vm14, $0x0, v6;
	v4 =	vadd.f32 $1.258291200e+07, v4;
	v2 =	vsub.f32 v2, v1  }
0x15f: {  	s6 =	simm.s32 $0xC03;
	s7 =	sshll.u32 s5, $0x4;
	[tilespmem:s4+$0x0] =	vst v6;
	v3 =	vmax.f32 v7, v3  }
0x160: {  	v4 =	vsub.f32 v1, v4;
	v1 =	vld [tilespmem:s7+$0x4000];
	v3 =	vmin.f32 v3, v2;
	v2 =	vmov s6  }
0x161: {  	v6 =	vadd.f32 $-1.258291200e+07, v3;
	vm15 =	vlt.s32 v2, v0;
	v2 =	vld [tilespmem:s7+$0xC000];
	_ =	sdelay $0x1  }
0x162: {  	s5 =	simm.s32 $0x0;
	s6 =	simm.s32 $0x14060;
	v3 =	vadd.f32 v3, v4;
	v4 =	vsub.f32 v5, v6;
	v5 =	vnsel vm15, $0x0, v6  }
.LBB2_8:
0x163: {  	s2 =	sadd.s32 $0x40, s2;
	s3 =	sadd.s32 $0x40, s3  }
0x164: {  	[tilespmem:s4+$0x10] =	vst v5;
	s7 =	smov.u32 s5;
	s5 =	sadd.s32 $0x4, s5;
	s4 =	smov.u32 s6  }
0x165: {  	v5 =	vadd.f32 $1.258288800e+07, v2;
	v1 =	vadd.f32 v1, v4;
	p1 =	slt.u32 s5, $0x3FC  }
0x166: {  	v4 =	vadd.f32 $1.258291200e+07, v2;
	v2 =	vadd.f32 $1.258293600e+07, v2  }
0x167: {  	v5 =	vsub.f32 v5, v3;
	v6 =	vadd.f32 $1.258291200e+07, v1  }
0x168: {  	v2 =	vsub.f32 v2, v3  }
0x169: {  	v3 =	vsub.f32 v3, v4;
	v7 =	vld [tilespmem:s2+$0xFFFFFFF0];
	v5 =	vmax.f32 v6, v5  }
0x16a: {  	s8 =	sadd.s32 $0xC04, s7;
	v4 =	vld [tilespmem:s3+$0xFFFFFFF0];
	v2 =	vmin.f32 v5, v2  }
0x16b: {  	v5 =	vadd.f32 $-1.258291200e+07, v2;
	v2 =	vadd.f32 v2, v3;
	v3 =	vmov s8  }
0x16c: {  	vm0 =	vlt.s32 v3, v0  }
0x16d: {  	v1 =	vsub.f32 v1, v5;
	v3 =	vnsel vm0, $0x0, v5  }
0x16e: {  	[tilespmem:s6+$0xFFFFFFE0] =	vst v3  }
0x16f: {  	v3 =	vadd.f32 $1.258288800e+07, v4;
	v1 =	vadd.f32 v7, v1  }
0x170: {  	v5 =	vadd.f32 $1.258291200e+07, v4;
	v4 =	vadd.f32 $1.258293600e+07, v4  }
0x171: {  	v3 =	vsub.f32 v3, v2;
	v6 =	vadd.f32 $1.258291200e+07, v1  }
0x172: {  	v4 =	vsub.f32 v4, v2;
	v2 =	vsub.f32 v2, v5  }
0x173: {  	v5 =	vld [tilespmem:s3+$0x0];
	v3 =	vmax.f32 v6, v3  }
0x174: {  	s8 =	sadd.s32 $0xC05, s7;
	v6 =	vld [tilespmem:s2+$0x0];
	v3 =	vmin.f32 v3, v4  }
0x175: {  	v4 =	vadd.f32 $-1.258291200e+07, v3;
	v2 =	vadd.f32 v3, v2;
	v3 =	vmov s8  }
0x176: {  	vm0 =	vlt.s32 v3, v0  }
0x177: {  	v1 =	vsub.f32 v1, v4;
	v3 =	vnsel vm0, $0x0, v4  }
0x178: {  	[tilespmem:s6+$0xFFFFFFF0] =	vst v3;
	v3 =	vadd.f32 $1.258291200e+07, v5  }
0x179: {  	v7 =	vadd.f32 $1.258288800e+07, v5;
	v4 =	vld [tilespmem:s3+$0x10];
	v1 =	vadd.f32 v1, v6  }
0x17a: {  	v5 =	vadd.f32 $1.258293600e+07, v5;
	v3 =	vsub.f32 v2, v3  }
0x17b: {  	v6 =	vsub.f32 v7, v2;
	v7 =	vadd.f32 $1.258291200e+07, v1  }
0x17c: {  	v2 =	vsub.f32 v5, v2  }
0x17d: {  	v5 =	vmax.f32 v7, v6  }
0x17e: {  	s8 =	sadd.s32 $0xC06, s7;
	v6 =	vld [tilespmem:s2+$0x10];
	v2 =	vmin.f32 v5, v2  }
0x17f: {  	v5 =	vadd.f32 $-1.258291200e+07, v2;
	v3 =	vadd.f32 v2, v3;
	v2 =	vmov s8  }
0x180: {  	s8 =	sadd.s32 $0x8, s7;
	vm0 =	vlt.s32 v2, v0  }
0x181: {  	s8 =	smin.u32 s8, $0x3FF;
	v2 =	vsub.f32 v1, v5;
	v1 =	vnsel vm0, $0x0, v5  }
0x182: {  	s8 =	sshll.u32 s8, $0x4;
	[tilespmem:s6+$0x0] =	vst v1  }
0x183: {  	v5 =	vadd.f32 $1.258288800e+07, v4;
	v1 =	vld [tilespmem:s8+$0x4000];
	v6 =	vadd.f32 v2, v6  }
0x184: {  	v7 =	vadd.f32 $1.258291200e+07, v4;
	v4 =	vadd.f32 $1.258293600e+07, v4;
	v2 =	vld [tilespmem:s8+$0xC000]  }
0x185: {  	v5 =	vsub.f32 v5, v3;
	v8 =	vadd.f32 $1.258291200e+07, v6  }
0x186: {  	v4 =	vsub.f32 v4, v3  }
.Ltmp5:
0x187: {  	v3 =	vsub.f32 v3, v7;
	v5 =	vmax.f32 v8, v5;
	(pc) =	sbr.rel @p1 .LBB2_8-.Ltmp5, $4  }
0x188: {  	s7 =	sadd.s32 $0xC07, s7;
	v4 =	vmin.f32 v5, v4  }
0x189: {  	v5 =	vadd.f32 $-1.258291200e+07, v4;
	v3 =	vadd.f32 v4, v3;
	v4 =	vmov s7  }
0x18a: {  	vm0 =	vlt.s32 v4, v0  }
0x18b: {  	s6 =	sadd.s32 $0x40, s6;
	v4 =	vsub.f32 v6, v5;
	v5 =	vnsel vm0, $0x0, v5  }
0x18c: {  	[tilespmem:s4+$0x10] =	vst v5;
	s2 =	simm.s32 $0x0;
	s3 =	simm.s32 $0x14000;
	s30 =	simm.s32 $0x5  }
0x18d: {  	[hbm4b:s1+s2] =	stream.linear.scatter [tilespmem:s3], [sflag:$0x6], $0x4000, $0x38;
	[tilespmem:$0x18030] =	vst v63  }
0x18e: {  	_ =	swait.ge [sflag:s30], $0x4000  }
0x18f: {  	[sflag:s30] =	ssyncset.done $0x0  }
0x190: {  	s31 =	simm.s32 $0x6;
	[sflag:s30] =	ssyncadd.s32 $0xFFFFC000  }
0x191: {  	_ =	swait.ge [sflag:s31], $0x4000  }
0x192: {  	[sflag:s31] =	ssyncset.done $0x0  }
0x193: {  	[sflag:s31] =	ssyncadd.s32 $0xFFFFC000  }
.LBB2_10:
0x194: {  	_ =	sfence.sel $0x180000  }
0x195: {  	[bflag:$0x0] =	sbarrier.arrive $0xFFFF  }
0x196: {  	_ =	strace $0x90000047  }
0x197: {  	s0 =	sadd.s32 @!p0 $0x100000, s0;
	[bflag:$0x2] =	sbarrier.arrive $0xFFFF  }
0x198: {  	[sflag:s0] =	ssyncadd.tile.s32 @!p0 $0x1;
	_ =	shalt  }
.Lfunc_end2:
_tile_overlayer_lowered:
.L_overlay_start_2:
0x199: {  	(tag) =	ssettag $0x2  }
0x19a: {  	s0 =	rddreg [dreg:$0x0];
	s2 =	stileid.u32  }
0x19b: {  	s1 =	rddreg [dreg:$0x1];
	p0 =	sne.s32 s2, $0x0  }
0x19c: {  	s3 =	rddreg [dreg:$0x2];
	[bflag:$0x3] =	sbarrier.arrive $0xFFFF;
	s2 =	simm.s32 @!p0 $0x1C08  }
0x19d: {  	[timem:s3], [sflag:s2] =	dma.local @!p0 [hbm:s0], s1  }
0x19e: {  	s0 =	simm.s32 @!p0 $0x8  }
0x19f: {  	_ =	swait.ge @!p0 [sflag:s0], s1  }
0x1a0: {  	s1 =	ssub.s32 @!p0 $0x0, s1;
	[sflag:s0] =	ssyncset.done @!p0 $0x0  }
0x1a1: {  	[sflag:s0] =	ssyncadd.s32 @!p0 s1  }
0x1a2: {  	[bflag:$0x3] =	sbarrier.arrive $0xFFFF  }
0x1a3: {  	_ =	shalt  }

</sc_bundles>
